<compile_context>
chip_gen: v7x
topology: tpu7x:2x2x1
jax: 0.10.2.dev20260603
libtpu: 0.0.44.dev20260713+nightly
codegen_flags: <defaults>
</compile_context>

<pallas_src>
import jax
import jax.numpy as jnp
from jax import lax
from jax.experimental import pallas as pl
from jax.experimental.pallas import tpu as pltpu
from jax.experimental.pallas import tpu_sc as plsc

N_NODES = 10000
D = 128
NUM_RELS = 8
ALPHA = 0.5
SQRT_A = float(ALPHA ** 0.5)
SQRT_1MA = float((1.0 - ALPHA) ** 0.5)

NC = 2
NS = 16
NW = NC * NS
B = 128
NB = 80
NH = NB // 2
E_PAD = NW * NB * B
ACC_ROWS = 10112
ROWS_PER_SUB = ACC_ROWS // NS

NP = 10240
BN = 2048
TABLE_ROWS = NUM_RELS * NP


def _rel_transform_body(x_ref, w_ref, out_ref):
    out_ref[...] = jnp.dot(x_ref[...], w_ref[0],
                           preferred_element_type=jnp.float32)


def _rel_transform(x_pad, weight):
    nb = NP // BN
    return pl.pallas_call(
        _rel_transform_body,
        grid=(nb, NUM_RELS),
        in_specs=[
            pl.BlockSpec((BN, D), lambda n, r: (n, 0)),
            pl.BlockSpec((1, D, D), lambda n, r: (r, 0, 0)),
        ],
        out_specs=pl.BlockSpec((BN, D), lambda n, r: (r * nb + n, 0)),
        out_shape=jax.ShapeDtypeStruct((TABLE_ROWS, D), jnp.float32),
    )(x_pad, weight)


def _sc_body(table, src_idx_hbm, dst_idx_hbm, partial,
             src_idx, dst_idx, rows0, rows1, acc, gsem0, gsem1):
    c = lax.axis_index("c")
    s = lax.axis_index("s")
    w = c * NS + s
    bufs = (rows0, rows1)
    sems = (gsem0, gsem1)

    zero = jnp.zeros((16,), jnp.float32)

    def _z(i, carry):
        rows0[i // 8, pl.ds((i % 8) * 16, 16)] = zero
        return carry

    lax.fori_loop(0, B * (D // 16), _z, 0)

    base = s * ROWS_PER_SUB
    full, tail = divmod(ROWS_PER_SUB, B)
    chunks = [B] * full + ([tail] if tail else [])
    off = 0
    for sz in chunks:
        pltpu.sync_copy(rows0.at[pl.ds(0, sz)],
                        acc.at[pl.ds(base + off, sz)])
        off += sz

    plsc.subcore_barrier()

    def _gather_start(j, b):
        pltpu.async_copy(table.at[src_idx.at[j]], bufs[b], sems[b])

    def _gather_wait(j, b):
        pltpu.make_async_copy(table.at[src_idx.at[j]], bufs[b], sems[b]).wait()

    for h in range(2):
        pltpu.sync_copy(src_idx_hbm.at[w, pl.ds(h * NH, NH)], src_idx)
        pltpu.sync_copy(dst_idx_hbm.at[w, pl.ds(h * NH, NH)], dst_idx)

        _gather_start(0, 0)
        _gather_start(1, 1)

        def _step(g, carry):
            for b in range(2):
                j = 2 * g + b
                _gather_wait(j, b)
                pltpu.sync_copy(bufs[b], acc.at[dst_idx.at[j]], add=True)
                _gather_start(j + 2, b)
            return carry

        lax.fori_loop(0, NH // 2 - 1, _step, 0)
        for b in range(2):
            j = NH - 2 + b
            _gather_wait(j, b)
            pltpu.sync_copy(bufs[b], acc.at[dst_idx.at[j]], add=True)

    plsc.subcore_barrier()

    off = 0
    for k, sz in enumerate(chunks):
        buf = bufs[k % 2]
        pltpu.sync_copy(acc.at[pl.ds(base + off, sz)], buf.at[pl.ds(0, sz)])
        pltpu.sync_copy(buf.at[pl.ds(0, sz)],
                        partial.at[c, pl.ds(base + off, sz)])
        off += sz


def _sc_aggregate(table, src_idx, dst_idx):
    mesh = plsc.VectorSubcoreMesh(core_axis_name="c", subcore_axis_name="s")
    kfn = pl.kernel(
        _sc_body,
        out_type=jax.ShapeDtypeStruct((NC, ACC_ROWS, D), jnp.float32),
        mesh=mesh,
        scratch_types=[
            pltpu.VMEM((NH, B), jnp.int32),
            pltpu.VMEM((NH, B), jnp.int32),
            pltpu.VMEM((B, D), jnp.float32),
            pltpu.VMEM((B, D), jnp.float32),
            pltpu.VMEM_SHARED((ACC_ROWS, D), jnp.float32),
            pltpu.SemaphoreType.DMA,
            pltpu.SemaphoreType.DMA,
        ],
    )
    return kfn(table, src_idx, dst_idx)


def _combine_body(p_ref, x_ref, lw_ref, b_ref, out_ref):
    agg = (p_ref[0] + p_ref[1]) * SQRT_A
    loop = jnp.dot(x_ref[...], lw_ref[...],
                   preferred_element_type=jnp.float32)
    out_ref[...] = agg + b_ref[...] + loop * SQRT_1MA


def _combine(partial, x, loop_weight, h_bias2d):
    bn = 2000
    nb = N_NODES // bn
    return pl.pallas_call(
        _combine_body,
        grid=(nb,),
        in_specs=[
            pl.BlockSpec((NC, bn, D), lambda n: (0, n, 0)),
            pl.BlockSpec((bn, D), lambda n: (n, 0)),
            pl.BlockSpec((D, D), lambda n: (0, 0)),
            pl.BlockSpec((1, D), lambda n: (0, 0)),
        ],
        out_specs=pl.BlockSpec((bn, D), lambda n: (n, 0)),
        out_shape=jax.ShapeDtypeStruct((N_NODES, D), jnp.float32),
    )(partial, x, loop_weight, h_bias2d)


def kernel(edge_index, x, edge_type, weight, h_bias, loop_weight):
    src = edge_index[0].astype(jnp.int32)
    dst = edge_index[1].astype(jnp.int32)
    et = edge_type.astype(jnp.int32)
    n_edges = src.shape[0]
    pad = E_PAD - n_edges
    pad_src = N_NODES + (jnp.arange(pad, dtype=jnp.int32) % (NP - N_NODES))
    pad_dst = jnp.arange(pad, dtype=jnp.int32) % N_NODES
    flat_src = jnp.concatenate([et * NP + src, pad_src])
    dst_pad = jnp.concatenate([dst, pad_dst])
    src_idx = flat_src.reshape(NW, NB, B)
    dst_idx = dst_pad.reshape(NW, NB, B)

    x_pad = jnp.pad(x, ((0, NP - N_NODES), (0, 0)))
    table = _rel_transform(x_pad, weight)
    partial = _sc_aggregate(table, src_idx, dst_idx)
    return _combine(partial, x, loop_weight, h_bias.reshape(1, D))

# --- scband reference (transcript-rebuilt; emitter-appended) ---
"""Pipeline reference for scband-rel-gcn-70669391888895 (READ-ONLY COPY).

The authoritative reference and input builder live on the scoring server;
editing this copy changes nothing except your own understanding.
"""

import jax, jax.numpy as jnp
import numpy as np

N_NODES = 10000
N_EDGES = 320000
D = 128
NUM_RELS = 8
ALPHA = 0.5


def setup_inputs(seed: int = 0) -> dict:
    key = jax.random.key(seed)
    k1, k2, k3, k4, k5 = jax.random.split(key, 5)
    edge_index = jax.random.randint(k1, (2, N_EDGES), 0, N_NODES, dtype=jnp.int64)
    x = jax.random.normal(k2, (N_NODES, D), dtype=jnp.float32)
    edge_type = jax.random.randint(k3, (N_EDGES,), 0, NUM_RELS, dtype=jnp.int64)
    # Parameters (xavier_uniform with relu gain)
    gain = np.sqrt(2.0)
    bound_w = gain * np.sqrt(6.0 / (D + D))
    weight = jax.random.uniform(k4, (NUM_RELS, D, D), dtype=jnp.float32, minval=-bound_w, maxval=bound_w)
    h_bias = jnp.zeros((D,), dtype=jnp.float32)
    loop_weight = jax.random.uniform(k5, (D, D), dtype=jnp.float32, minval=-bound_w, maxval=bound_w)
    return {"edge_index": edge_index, "x": x, "edge_type": edge_type,
            "weight": weight, "h_bias": h_bias, "loop_weight": loop_weight}


def reference(edge_index, x, edge_type, weight, h_bias, loop_weight):
    num_nodes = x.shape[0]
    src = edge_index[0]
    dst = edge_index[1]
    # self-loop message: x @ loop_weight
    loop_message = x @ loop_weight
    # message: msg_e = x[src_e] @ weight[edge_type_e]
    # computed as per-relation transform of all nodes, then a fused gather
    # (same math as bmm(x[src].unsqueeze(1), weight[edge_type]).squeeze(1))
    all_h = jnp.einsum('ni,rio->rno', x, weight)  # [R, N, out]
    msg = all_h[edge_type, src]  # [E, out]
    # scatter-add aggregation over destination nodes
    aggregated_msg = jnp.zeros((num_nodes, msg.shape[1]), dtype=msg.dtype).at[dst].add(msg)
    node_repr = aggregated_msg * (ALPHA ** 0.5)
    node_repr = node_repr + h_bias
    node_repr = node_repr + loop_message * ((1.0 - ALPHA) ** 0.5)
    # activation is None, dropout p=0.0 -> identity
    return node_repr

if __name__ == "__main__":
    import jax
    _d = setup_inputs()
    print(jax.jit(kernel)(*tuple(_d.values())))

</pallas_src>

<mosaic_0001>
#map = affine_map<(d0, d1) -> (0, 0)>
#map1 = affine_map<(d0, d1) -> (0, 0, 0)>
module attributes {stable_mosaic.version = 14 : i64} {
  func.func @_sc_body(%arg0: i32, %arg1: i32, %arg2: memref<81920x128xf32, #tpu.memory_space<hbm>>, %arg3: memref<32x80x128xi32, #tpu.memory_space<hbm>>, %arg4: memref<32x80x128xi32, #tpu.memory_space<hbm>>, %arg5: memref<2x10112x128xf32, #tpu.memory_space<hbm>>, %arg6: memref<40x128xi32, #tpu.memory_space<vmem>>, %arg7: memref<40x128xi32, #tpu.memory_space<vmem>>, %arg8: memref<128x128xf32, #tpu.memory_space<vmem>>, %arg9: memref<128x128xf32, #tpu.memory_space<vmem>>, %arg10: memref<10112x128xf32, #tpu.memory_space<vmem_shared>>, %arg11: memref<!tpu.dma_semaphore, #tpu.memory_space<semaphore_mem>>, %arg12: memref<!tpu.dma_semaphore, #tpu.memory_space<semaphore_mem>>) attributes {dimension_semantics = [#tpu.dimension_semantics<core_parallel>, #tpu.dimension_semantics<subcore_parallel>], iteration_bounds = array<i64: 2, 16>, scalar_prefetch = 0 : i64, scratch_operands = 7 : i64, tpu.core_type = #tpu.core_type<sc_vector_subcore>, window_params = [{transform_indices = #map}, {transform_indices = #map1}, {transform_indices = #map1}, {transform_indices = #map1}]} {
    %mul3A = arith.constant 16 : i32
    %mul3A_0 = arith.muli %arg0, %mul3A : i32
    %add3A = arith.addi %mul3A_0, %arg1 : i32
    %broadcast_in_dim3A = arith.constant 0.000000e+00 : f32
    %broadcast_in_dim3A_1 = vector.broadcast %broadcast_in_dim3A : f32 to vector<16xf32>
    %scan3A = arith.constant 0 : i32
    %scan3A_2 = arith.constant 0 : i32
    %scan3A_3 = arith.constant 1024 : i32
    %scan3A_4 = arith.addi %scan3A_2, %scan3A_3 : i32
    %scan3A_5 = arith.constant 1 : i32
    scf.for %scan3A_109 = %scan3A_2 to %scan3A_4 step %scan3A_5  : i32 {
      %jit3A = arith.constant 8 : i32
      %div3A = arith.divsi %scan3A_109, %jit3A : i32
      %sign3A = arith.constant 0 : i32
      %sign3A_110 = arith.cmpi sgt, %scan3A_109, %sign3A : i32
      %sign3A_111 = arith.extui %sign3A_110 : i1 to i32
      %sign3A_112 = arith.constant 0 : i32
      %sign3A_113 = arith.cmpi slt, %scan3A_109, %sign3A_112 : i32
      %sign3A_114 = arith.extui %sign3A_113 : i1 to i32
      %sign3A_115 = arith.subi %sign3A_111, %sign3A_114 : i32
      %sign3A_116 = arith.constant 0 : i32
      %sign3A_117 = arith.cmpi sgt, %jit3A, %sign3A_116 : i32
      %sign3A_118 = arith.extui %sign3A_117 : i1 to i32
      %sign3A_119 = arith.constant 0 : i32
      %sign3A_120 = arith.cmpi slt, %jit3A, %sign3A_119 : i32
      %sign3A_121 = arith.extui %sign3A_120 : i1 to i32
      %sign3A_122 = arith.subi %sign3A_118, %sign3A_121 : i32
      %ne3A = arith.cmpi ne, %sign3A_115, %sign3A_122 : i32
      %rem3A = arith.remsi %scan3A_109, %jit3A : i32
      %ne3A_123 = arith.constant 0 : i32
      %ne3A_124 = arith.cmpi ne, %rem3A, %ne3A_123 : i32
      %and3A = arith.andi %ne3A, %ne3A_124 : i1
      %sub3A = arith.constant 1 : i32
      %sub3A_125 = arith.subi %div3A, %sub3A : i32
      %select_n3A = arith.select %and3A, %sub3A_125, %div3A : i32
      %jit3A_126 = arith.constant 8 : i32
      %eq3A = arith.constant 0 : i32
      %eq3A_127 = arith.cmpi eq, %jit3A_126, %eq3A : i32
      %jit3A_128 = arith.constant 1 : i32
      %select_n3A_129 = arith.select %eq3A_127, %jit3A_128, %jit3A_126 : i32
      %rem3A_130 = arith.remsi %scan3A_109, %select_n3A_129 : i32
      %ne3A_131 = arith.constant 0 : i32
      %ne3A_132 = arith.cmpi ne, %rem3A_130, %ne3A_131 : i32
      %lt3A = arith.constant 0 : i32
      %lt3A_133 = arith.cmpi slt, %rem3A_130, %lt3A : i32
      %lt3A_134 = arith.constant 0 : i32
      %lt3A_135 = arith.cmpi slt, %select_n3A_129, %lt3A_134 : i32
      %ne3A_136 = arith.xori %lt3A_133, %lt3A_135 : i1
      %and3A_137 = arith.andi %ne3A_136, %ne3A_132 : i1
      %add3A_138 = arith.addi %rem3A_130, %select_n3A_129 : i32
      %select_n3A_139 = arith.select %and3A_137, %add3A_138, %rem3A_130 : i32
      %mul3A_140 = arith.constant 16 : i32
      %mul3A_141 = arith.muli %select_n3A_139, %mul3A_140 : i32
      %swap3A = arith.index_cast %select_n3A : i32 to index
      %swap3A_142 = arith.index_cast %mul3A_141 : i32 to index
      %swap3A_143 = tpu.vector_load %arg8[%swap3A, %swap3A_142] {strides = array<i32>} : memref<128x128xf32, #tpu.memory_space<vmem>>, vector<1x16xf32>,
      %swap3A_144 = vector.shape_cast %swap3A_143 : vector<1x16xf32> to vector<16xf32>
      %swap3A_145 = vector.shape_cast %broadcast_in_dim3A_1 : vector<16xf32> to vector<1x16xf32>
      tpu.vector_store %arg8[%swap3A, %swap3A_142], %swap3A_145 {strides = array<i32>} : memref<128x128xf32, #tpu.memory_space<vmem>>, vector<1x16xf32>,
    }
    %scan3A_6 = arith.constant 1024 : i32
    %mul3A_7 = arith.constant 632 : i32
    %mul3A_8 = arith.muli %arg1, %mul3A_7 : i32
    %add3A_9 = arith.constant 0 : i32
    %add3A_10 = arith.addi %mul3A_8, %add3A_9 : i32
    "tpu.region"() ({
      %run_scoped3A_109 = tpu.sem_alloc : memref<!tpu.dma_semaphore, #tpu.memory_space<semaphore_mem>>
      %dma_start3A_110 = arith.constant 0 : i32
      %dma_start3A_111 = arith.constant 0 : i32
      %dma_start3A_112 = tpu.memref_slice %arg8[%dma_start3A_110, %dma_start3A_111] : memref<128x128xf32, #tpu.memory_space<vmem>> -> memref<128x128xf32, #tpu.memory_space<vmem>>
      %dma_start3A_113 = arith.constant 0 : i32
      %dma_start3A_114 = tpu.memref_slice %arg10[%add3A_10, %dma_start3A_113] : memref<10112x128xf32, #tpu.memory_space<vmem_shared>> -> memref<128x128xf32, #tpu.memory_space<vmem_shared>>
      %dma_start3A_115 = arith.constant 0 : i32
      %dma_start3A_116 = tpu.memref_slice %arg10[%add3A_10, %dma_start3A_115] : memref<10112x128xf32, #tpu.memory_space<vmem_shared>> -> memref<128x128xf32, #tpu.memory_space<vmem_shared>>
      %dma_start3A_117 = arith.constant 0 : i32
      %dma_start3A_118 = arith.constant 0 : i32
      %dma_start3A_119 = tpu.memref_slice %arg8[%dma_start3A_117, %dma_start3A_118] : memref<128x128xf32, #tpu.memory_space<vmem>> -> memref<128x128xf32, #tpu.memory_space<vmem>>
      tpu.enqueue_dma source(%dma_start3A_119 : memref<128x128xf32, #tpu.memory_space<vmem>>) target(%dma_start3A_116 : memref<128x128xf32, #tpu.memory_space<vmem_shared>>) target_semaphore(%run_scoped3A_109 : memref<!tpu.dma_semaphore, #tpu.memory_space<semaphore_mem>>)
      %dma_wait3A_120 = arith.constant 0 : i32
      %dma_wait3A_121 = arith.constant 0 : i32
      %dma_wait3A_122 = tpu.memref_slice %arg8[%dma_wait3A_120, %dma_wait3A_121] : memref<128x128xf32, #tpu.memory_space<vmem>> -> memref<128x128xf32, #tpu.memory_space<vmem>>
      %dma_wait3A_123 = arith.constant 0 : i32
      %dma_wait3A_124 = tpu.memref_slice %arg10[%add3A_10, %dma_wait3A_123] : memref<10112x128xf32, #tpu.memory_space<vmem_shared>> -> memref<128x128xf32, #tpu.memory_space<vmem_shared>>
      %dma_wait3A_125 = arith.constant 0 : i32
      %dma_wait3A_126 = tpu.memref_slice %arg10[%add3A_10, %dma_wait3A_125] : memref<10112x128xf32, #tpu.memory_space<vmem_shared>> -> memref<128x128xf32, #tpu.memory_space<vmem_shared>>
      %dma_wait3A_127 = arith.constant 0 : i32
      %dma_wait3A_128 = arith.constant 0 : i32
      %dma_wait3A_129 = tpu.memref_slice %arg8[%dma_wait3A_127, %dma_wait3A_128] : memref<128x128xf32, #tpu.memory_space<vmem>> -> memref<128x128xf32, #tpu.memory_space<vmem>>
      tpu.wait_dma2 semaphore(%run_scoped3A_109 : memref<!tpu.dma_semaphore, #tpu.memory_space<semaphore_mem>>) src(%dma_wait3A_129 : memref<128x128xf32, #tpu.memory_space<vmem>>) dst(%dma_wait3A_126 : memref<128x128xf32, #tpu.memory_space<vmem_shared>>)
      tpu.yield
    }) : () -> ()
    %add3A_11 = arith.constant 128 : i32
    %add3A_12 = arith.addi %mul3A_8, %add3A_11 : i32
    "tpu.region"() ({
      %run_scoped3A_109 = tpu.sem_alloc : memref<!tpu.dma_semaphore, #tpu.memory_space<semaphore_mem>>
      %dma_start3A_110 = arith.constant 0 : i32
      %dma_start3A_111 = arith.constant 0 : i32
      %dma_start3A_112 = tpu.memref_slice %arg8[%dma_start3A_110, %dma_start3A_111] : memref<128x128xf32, #tpu.memory_space<vmem>> -> memref<128x128xf32, #tpu.memory_space<vmem>>
      %dma_start3A_113 = arith.constant 0 : i32
      %dma_start3A_114 = tpu.memref_slice %arg10[%add3A_12, %dma_start3A_113] : memref<10112x128xf32, #tpu.memory_space<vmem_shared>> -> memref<128x128xf32, #tpu.memory_space<vmem_shared>>
      %dma_start3A_115 = arith.constant 0 : i32
      %dma_start3A_116 = tpu.memref_slice %arg10[%add3A_12, %dma_start3A_115] : memref<10112x128xf32, #tpu.memory_space<vmem_shared>> -> memref<128x128xf32, #tpu.memory_space<vmem_shared>>
      %dma_start3A_117 = arith.constant 0 : i32
      %dma_start3A_118 = arith.constant 0 : i32
      %dma_start3A_119 = tpu.memref_slice %arg8[%dma_start3A_117, %dma_start3A_118] : memref<128x128xf32, #tpu.memory_space<vmem>> -> memref<128x128xf32, #tpu.memory_space<vmem>>
      tpu.enqueue_dma source(%dma_start3A_119 : memref<128x128xf32, #tpu.memory_space<vmem>>) target(%dma_start3A_116 : memref<128x128xf32, #tpu.memory_space<vmem_shared>>) target_semaphore(%run_scoped3A_109 : memref<!tpu.dma_semaphore, #tpu.memory_space<semaphore_mem>>)
      %dma_wait3A_120 = arith.constant 0 : i32
      %dma_wait3A_121 = arith.constant 0 : i32
      %dma_wait3A_122 = tpu.memref_slice %arg8[%dma_wait3A_120, %dma_wait3A_121] : memref<128x128xf32, #tpu.memory_space<vmem>> -> memref<128x128xf32, #tpu.memory_space<vmem>>
      %dma_wait3A_123 = arith.constant 0 : i32
      %dma_wait3A_124 = tpu.memref_slice %arg10[%add3A_12, %dma_wait3A_123] : memref<10112x128xf32, #tpu.memory_space<vmem_shared>> -> memref<128x128xf32, #tpu.memory_space<vmem_shared>>
      %dma_wait3A_125 = arith.constant 0 : i32
      %dma_wait3A_126 = tpu.memref_slice %arg10[%add3A_12, %dma_wait3A_125] : memref<10112x128xf32, #tpu.memory_space<vmem_shared>> -> memref<128x128xf32, #tpu.memory_space<vmem_shared>>
      %dma_wait3A_127 = arith.constant 0 : i32
      %dma_wait3A_128 = arith.constant 0 : i32
      %dma_wait3A_129 = tpu.memref_slice %arg8[%dma_wait3A_127, %dma_wait3A_128] : memref<128x128xf32, #tpu.memory_space<vmem>> -> memref<128x128xf32, #tpu.memory_space<vmem>>
      tpu.wait_dma2 semaphore(%run_scoped3A_109 : memref<!tpu.dma_semaphore, #tpu.memory_space<semaphore_mem>>) src(%dma_wait3A_129 : memref<128x128xf32, #tpu.memory_space<vmem>>) dst(%dma_wait3A_126 : memref<128x128xf32, #tpu.memory_space<vmem_shared>>)
      tpu.yield
    }) : () -> ()
    %add3A_13 = arith.constant 256 : i32
    %add3A_14 = arith.addi %mul3A_8, %add3A_13 : i32
    "tpu.region"() ({
      %run_scoped3A_109 = tpu.sem_alloc : memref<!tpu.dma_semaphore, #tpu.memory_space<semaphore_mem>>
      %dma_start3A_110 = arith.constant 0 : i32
      %dma_start3A_111 = arith.constant 0 : i32
      %dma_start3A_112 = tpu.memref_slice %arg8[%dma_start3A_110, %dma_start3A_111] : memref<128x128xf32, #tpu.memory_space<vmem>> -> memref<128x128xf32, #tpu.memory_space<vmem>>
      %dma_start3A_113 = arith.constant 0 : i32
      %dma_start3A_114 = tpu.memref_slice %arg10[%add3A_14, %dma_start3A_113] : memref<10112x128xf32, #tpu.memory_space<vmem_shared>> -> memref<128x128xf32, #tpu.memory_space<vmem_shared>>
      %dma_start3A_115 = arith.constant 0 : i32
      %dma_start3A_116 = tpu.memref_slice %arg10[%add3A_14, %dma_start3A_115] : memref<10112x128xf32, #tpu.memory_space<vmem_shared>> -> memref<128x128xf32, #tpu.memory_space<vmem_shared>>
      %dma_start3A_117 = arith.constant 0 : i32
      %dma_start3A_118 = arith.constant 0 : i32
      %dma_start3A_119 = tpu.memref_slice %arg8[%dma_start3A_117, %dma_start3A_118] : memref<128x128xf32, #tpu.memory_space<vmem>> -> memref<128x128xf32, #tpu.memory_space<vmem>>
      tpu.enqueue_dma source(%dma_start3A_119 : memref<128x128xf32, #tpu.memory_space<vmem>>) target(%dma_start3A_116 : memref<128x128xf32, #tpu.memory_space<vmem_shared>>) target_semaphore(%run_scoped3A_109 : memref<!tpu.dma_semaphore, #tpu.memory_space<semaphore_mem>>)
      %dma_wait3A_120 = arith.constant 0 : i32
      %dma_wait3A_121 = arith.constant 0 : i32
      %dma_wait3A_122 = tpu.memref_slice %arg8[%dma_wait3A_120, %dma_wait3A_121] : memref<128x128xf32, #tpu.memory_space<vmem>> -> memref<128x128xf32, #tpu.memory_space<vmem>>
      %dma_wait3A_123 = arith.constant 0 : i32
      %dma_wait3A_124 = tpu.memref_slice %arg10[%add3A_14, %dma_wait3A_123] : memref<10112x128xf32, #tpu.memory_space<vmem_shared>> -> memref<128x128xf32, #tpu.memory_space<vmem_shared>>
      %dma_wait3A_125 = arith.constant 0 : i32
      %dma_wait3A_126 = tpu.memref_slice %arg10[%add3A_14, %dma_wait3A_125] : memref<10112x128xf32, #tpu.memory_space<vmem_shared>> -> memref<128x128xf32, #tpu.memory_space<vmem_shared>>
      %dma_wait3A_127 = arith.constant 0 : i32
      %dma_wait3A_128 = arith.constant 0 : i32
      %dma_wait3A_129 = tpu.memref_slice %arg8[%dma_wait3A_127, %dma_wait3A_128] : memref<128x128xf32, #tpu.memory_space<vmem>> -> memref<128x128xf32, #tpu.memory_space<vmem>>
      tpu.wait_dma2 semaphore(%run_scoped3A_109 : memref<!tpu.dma_semaphore, #tpu.memory_space<semaphore_mem>>) src(%dma_wait3A_129 : memref<128x128xf32, #tpu.memory_space<vmem>>) dst(%dma_wait3A_126 : memref<128x128xf32, #tpu.memory_space<vmem_shared>>)
      tpu.yield
    }) : () -> ()
    %add3A_15 = arith.constant 384 : i32
    %add3A_16 = arith.addi %mul3A_8, %add3A_15 : i32
    "tpu.region"() ({
      %run_scoped3A_109 = tpu.sem_alloc : memref<!tpu.dma_semaphore, #tpu.memory_space<semaphore_mem>>
      %dma_start3A_110 = arith.constant 0 : i32
      %dma_start3A_111 = arith.constant 0 : i32
      %dma_start3A_112 = tpu.memref_slice %arg8[%dma_start3A_110, %dma_start3A_111] : memref<128x128xf32, #tpu.memory_space<vmem>> -> memref<128x128xf32, #tpu.memory_space<vmem>>
      %dma_start3A_113 = arith.constant 0 : i32
      %dma_start3A_114 = tpu.memref_slice %arg10[%add3A_16, %dma_start3A_113] : memref<10112x128xf32, #tpu.memory_space<vmem_shared>> -> memref<128x128xf32, #tpu.memory_space<vmem_shared>>
      %dma_start3A_115 = arith.constant 0 : i32
      %dma_start3A_116 = tpu.memref_slice %arg10[%add3A_16, %dma_start3A_115] : memref<10112x128xf32, #tpu.memory_space<vmem_shared>> -> memref<128x128xf32, #tpu.memory_space<vmem_shared>>
      %dma_start3A_117 = arith.constant 0 : i32
      %dma_start3A_118 = arith.constant 0 : i32
      %dma_start3A_119 = tpu.memref_slice %arg8[%dma_start3A_117, %dma_start3A_118] : memref<128x128xf32, #tpu.memory_space<vmem>> -> memref<128x128xf32, #tpu.memory_space<vmem>>
      tpu.enqueue_dma source(%dma_start3A_119 : memref<128x128xf32, #tpu.memory_space<vmem>>) target(%dma_start3A_116 : memref<128x128xf32, #tpu.memory_space<vmem_shared>>) target_semaphore(%run_scoped3A_109 : memref<!tpu.dma_semaphore, #tpu.memory_space<semaphore_mem>>)
      %dma_wait3A_120 = arith.constant 0 : i32
      %dma_wait3A_121 = arith.constant 0 : i32
      %dma_wait3A_122 = tpu.memref_slice %arg8[%dma_wait3A_120, %dma_wait3A_121] : memref<128x128xf32, #tpu.memory_space<vmem>> -> memref<128x128xf32, #tpu.memory_space<vmem>>
      %dma_wait3A_123 = arith.constant 0 : i32
      %dma_wait3A_124 = tpu.memref_slice %arg10[%add3A_16, %dma_wait3A_123] : memref<10112x128xf32, #tpu.memory_space<vmem_shared>> -> memref<128x128xf32, #tpu.memory_space<vmem_shared>>
      %dma_wait3A_125 = arith.constant 0 : i32
      %dma_wait3A_126 = tpu.memref_slice %arg10[%add3A_16, %dma_wait3A_125] : memref<10112x128xf32, #tpu.memory_space<vmem_shared>> -> memref<128x128xf32, #tpu.memory_space<vmem_shared>>
      %dma_wait3A_127 = arith.constant 0 : i32
      %dma_wait3A_128 = arith.constant 0 : i32
      %dma_wait3A_129 = tpu.memref_slice %arg8[%dma_wait3A_127, %dma_wait3A_128] : memref<128x128xf32, #tpu.memory_space<vmem>> -> memref<128x128xf32, #tpu.memory_space<vmem>>
      tpu.wait_dma2 semaphore(%run_scoped3A_109 : memref<!tpu.dma_semaphore, #tpu.memory_space<semaphore_mem>>) src(%dma_wait3A_129 : memref<128x128xf32, #tpu.memory_space<vmem>>) dst(%dma_wait3A_126 : memref<128x128xf32, #tpu.memory_space<vmem_shared>>)
      tpu.yield
    }) : () -> ()
    %add3A_17 = arith.constant 512 : i32
    %add3A_18 = arith.addi %mul3A_8, %add3A_17 : i32
    "tpu.region"() ({
      %run_scoped3A_109 = tpu.sem_alloc : memref<!tpu.dma_semaphore, #tpu.memory_space<semaphore_mem>>
      %dma_start3A_110 = arith.constant 0 : i32
      %dma_start3A_111 = arith.constant 0 : i32
      %dma_start3A_112 = tpu.memref_slice %arg8[%dma_start3A_110, %dma_start3A_111] : memref<128x128xf32, #tpu.memory_space<vmem>> -> memref<120x128xf32, #tpu.memory_space<vmem>>
      %dma_start3A_113 = arith.constant 0 : i32
      %dma_start3A_114 = tpu.memref_slice %arg10[%add3A_18, %dma_start3A_113] : memref<10112x128xf32, #tpu.memory_space<vmem_shared>> -> memref<120x128xf32, #tpu.memory_space<vmem_shared>>
      %dma_start3A_115 = arith.constant 0 : i32
      %dma_start3A_116 = tpu.memref_slice %arg10[%add3A_18, %dma_start3A_115] : memref<10112x128xf32, #tpu.memory_space<vmem_shared>> -> memref<120x128xf32, #tpu.memory_space<vmem_shared>>
      %dma_start3A_117 = arith.constant 0 : i32
      %dma_start3A_118 = arith.constant 0 : i32
      %dma_start3A_119 = tpu.memref_slice %arg8[%dma_start3A_117, %dma_start3A_118] : memref<128x128xf32, #tpu.memory_space<vmem>> -> memref<120x128xf32, #tpu.memory_space<vmem>>
      tpu.enqueue_dma source(%dma_start3A_119 : memref<120x128xf32, #tpu.memory_space<vmem>>) target(%dma_start3A_116 : memref<120x128xf32, #tpu.memory_space<vmem_shared>>) target_semaphore(%run_scoped3A_109 : memref<!tpu.dma_semaphore, #tpu.memory_space<semaphore_mem>>)
      %dma_wait3A_120 = arith.constant 0 : i32
      %dma_wait3A_121 = arith.constant 0 : i32
      %dma_wait3A_122 = tpu.memref_slice %arg8[%dma_wait3A_120, %dma_wait3A_121] : memref<128x128xf32, #tpu.memory_space<vmem>> -> memref<120x128xf32, #tpu.memory_space<vmem>>
      %dma_wait3A_123 = arith.constant 0 : i32
      %dma_wait3A_124 = tpu.memref_slice %arg10[%add3A_18, %dma_wait3A_123] : memref<10112x128xf32, #tpu.memory_space<vmem_shared>> -> memref<120x128xf32, #tpu.memory_space<vmem_shared>>
      %dma_wait3A_125 = arith.constant 0 : i32
      %dma_wait3A_126 = tpu.memref_slice %arg10[%add3A_18, %dma_wait3A_125] : memref<10112x128xf32, #tpu.memory_space<vmem_shared>> -> memref<120x128xf32, #tpu.memory_space<vmem_shared>>
      %dma_wait3A_127 = arith.constant 0 : i32
      %dma_wait3A_128 = arith.constant 0 : i32
      %dma_wait3A_129 = tpu.memref_slice %arg8[%dma_wait3A_127, %dma_wait3A_128] : memref<128x128xf32, #tpu.memory_space<vmem>> -> memref<120x128xf32, #tpu.memory_space<vmem>>
      tpu.wait_dma2 semaphore(%run_scoped3A_109 : memref<!tpu.dma_semaphore, #tpu.memory_space<semaphore_mem>>) src(%dma_wait3A_129 : memref<120x128xf32, #tpu.memory_space<vmem>>) dst(%dma_wait3A_126 : memref<120x128xf32, #tpu.memory_space<vmem_shared>>)
      tpu.yield
    }) : () -> ()
    %barrier3A = arith.constant 0 : index
    tpu.barrier barrier_id(%barrier3A)
    "tpu.region"() ({
      %run_scoped3A_109 = tpu.sem_alloc : memref<!tpu.dma_semaphore, #tpu.memory_space<semaphore_mem>>
      %dma_start3A_110 = arith.constant 0 : i32
      %dma_start3A_111 = arith.constant 0 : i32
      %dma_start3A_112 = tpu.memref_slice %arg3[%add3A, %dma_start3A_110, %dma_start3A_111] : memref<32x80x128xi32, #tpu.memory_space<hbm>> -> memref<1x40x128xi32, #tpu.memory_space<hbm>>
      %dma_start3A_113 = tpu.memref_squeeze %dma_start3A_112 : memref<1x40x128xi32, #tpu.memory_space<hbm>> -> memref<40x128xi32, #tpu.memory_space<hbm>>
      %dma_start3A_114 = arith.constant 0 : i32
      %dma_start3A_115 = arith.constant 0 : i32
      %dma_start3A_116 = tpu.memref_slice %arg3[%add3A, %dma_start3A_114, %dma_start3A_115] : memref<32x80x128xi32, #tpu.memory_space<hbm>> -> memref<1x40x128xi32, #tpu.memory_space<hbm>>
      %dma_start3A_117 = tpu.memref_squeeze %dma_start3A_116 : memref<1x40x128xi32, #tpu.memory_space<hbm>> -> memref<40x128xi32, #tpu.memory_space<hbm>>
      tpu.enqueue_dma source(%dma_start3A_117 : memref<40x128xi32, #tpu.memory_space<hbm>>) target(%arg6 : memref<40x128xi32, #tpu.memory_space<vmem>>) target_semaphore(%run_scoped3A_109 : memref<!tpu.dma_semaphore, #tpu.memory_space<semaphore_mem>>)
      %dma_wait3A_118 = arith.constant 0 : i32
      %dma_wait3A_119 = arith.constant 0 : i32
      %dma_wait3A_120 = tpu.memref_slice %arg3[%add3A, %dma_wait3A_118, %dma_wait3A_119] : memref<32x80x128xi32, #tpu.memory_space<hbm>> -> memref<1x40x128xi32, #tpu.memory_space<hbm>>
      %dma_wait3A_121 = tpu.memref_squeeze %dma_wait3A_120 : memref<1x40x128xi32, #tpu.memory_space<hbm>> -> memref<40x128xi32, #tpu.memory_space<hbm>>
      %dma_wait3A_122 = arith.constant 0 : i32
      %dma_wait3A_123 = arith.constant 0 : i32
      %dma_wait3A_124 = tpu.memref_slice %arg3[%add3A, %dma_wait3A_122, %dma_wait3A_123] : memref<32x80x128xi32, #tpu.memory_space<hbm>> -> memref<1x40x128xi32, #tpu.memory_space<hbm>>
      %dma_wait3A_125 = tpu.memref_squeeze %dma_wait3A_124 : memref<1x40x128xi32, #tpu.memory_space<hbm>> -> memref<40x128xi32, #tpu.memory_space<hbm>>
      tpu.wait_dma2 semaphore(%run_scoped3A_109 : memref<!tpu.dma_semaphore, #tpu.memory_space<semaphore_mem>>) src(%dma_wait3A_125 : memref<40x128xi32, #tpu.memory_space<hbm>>) dst(%arg6 : memref<40x128xi32, #tpu.memory_space<vmem>>)
      tpu.yield
    }) : () -> ()
    "tpu.region"() ({
      %run_scoped3A_109 = tpu.sem_alloc : memref<!tpu.dma_semaphore, #tpu.memory_space<semaphore_mem>>
      %dma_start3A_110 = arith.constant 0 : i32
      %dma_start3A_111 = arith.constant 0 : i32
      %dma_start3A_112 = tpu.memref_slice %arg4[%add3A, %dma_start3A_110, %dma_start3A_111] : memref<32x80x128xi32, #tpu.memory_space<hbm>> -> memref<1x40x128xi32, #tpu.memory_space<hbm>>
      %dma_start3A_113 = tpu.memref_squeeze %dma_start3A_112 : memref<1x40x128xi32, #tpu.memory_space<hbm>> -> memref<40x128xi32, #tpu.memory_space<hbm>>
      %dma_start3A_114 = arith.constant 0 : i32
      %dma_start3A_115 = arith.constant 0 : i32
      %dma_start3A_116 = tpu.memref_slice %arg4[%add3A, %dma_start3A_114, %dma_start3A_115] : memref<32x80x128xi32, #tpu.memory_space<hbm>> -> memref<1x40x128xi32, #tpu.memory_space<hbm>>
      %dma_start3A_117 = tpu.memref_squeeze %dma_start3A_116 : memref<1x40x128xi32, #tpu.memory_space<hbm>> -> memref<40x128xi32, #tpu.memory_space<hbm>>
      tpu.enqueue_dma source(%dma_start3A_117 : memref<40x128xi32, #tpu.memory_space<hbm>>) target(%arg7 : memref<40x128xi32, #tpu.memory_space<vmem>>) target_semaphore(%run_scoped3A_109 : memref<!tpu.dma_semaphore, #tpu.memory_space<semaphore_mem>>)
      %dma_wait3A_118 = arith.constant 0 : i32
      %dma_wait3A_119 = arith.constant 0 : i32
      %dma_wait3A_120 = tpu.memref_slice %arg4[%add3A, %dma_wait3A_118, %dma_wait3A_119] : memref<32x80x128xi32, #tpu.memory_space<hbm>> -> memref<1x40x128xi32, #tpu.memory_space<hbm>>
      %dma_wait3A_121 = tpu.memref_squeeze %dma_wait3A_120 : memref<1x40x128xi32, #tpu.memory_space<hbm>> -> memref<40x128xi32, #tpu.memory_space<hbm>>
      %dma_wait3A_122 = arith.constant 0 : i32
      %dma_wait3A_123 = arith.constant 0 : i32
      %dma_wait3A_124 = tpu.memref_slice %arg4[%add3A, %dma_wait3A_122, %dma_wait3A_123] : memref<32x80x128xi32, #tpu.memory_space<hbm>> -> memref<1x40x128xi32, #tpu.memory_space<hbm>>
      %dma_wait3A_125 = tpu.memref_squeeze %dma_wait3A_124 : memref<1x40x128xi32, #tpu.memory_space<hbm>> -> memref<40x128xi32, #tpu.memory_space<hbm>>
      tpu.wait_dma2 semaphore(%run_scoped3A_109 : memref<!tpu.dma_semaphore, #tpu.memory_space<semaphore_mem>>) src(%dma_wait3A_125 : memref<40x128xi32, #tpu.memory_space<hbm>>) dst(%arg7 : memref<40x128xi32, #tpu.memory_space<vmem>>)
      tpu.yield
    }) : () -> ()
    %dma_start3A = arith.constant 0 : i32
    %dma_start3A_19 = arith.constant 0 : i32
    %dma_start3A_20 = tpu.memref_slice %arg6[%dma_start3A, %dma_start3A_19] : memref<40x128xi32, #tpu.memory_space<vmem>> -> memref<1x128xi32, #tpu.memory_space<vmem>>
    %dma_start3A_21 = tpu.memref_squeeze %dma_start3A_20 : memref<1x128xi32, #tpu.memory_space<vmem>> -> memref<128xi32, #tpu.memory_space<vmem>>
    %dma_start3A_22 = arith.constant 0 : i32
    %dma_start3A_23 = arith.constant 0 : i32
    %dma_start3A_24 = tpu.memref_slice %arg2[%dma_start3A_22, %dma_start3A_23] : memref<81920x128xf32, #tpu.memory_space<hbm>> -> memref<81920x128xf32, #tpu.memory_space<hbm>>
    tpu.enqueue_indirect_dma source(%dma_start3A_24 : memref<81920x128xf32, #tpu.memory_space<hbm>>) target(%arg8 : memref<128x128xf32, #tpu.memory_space<vmem>>) offsets(%dma_start3A_21 : memref<128xi32, #tpu.memory_space<vmem>>) semaphore(%arg11 : memref<!tpu.dma_semaphore, #tpu.memory_space<semaphore_mem>>)
    %dma_start3A_25 = arith.constant 1 : i32
    %dma_start3A_26 = arith.constant 0 : i32
    %dma_start3A_27 = tpu.memref_slice %arg6[%dma_start3A_25, %dma_start3A_26] : memref<40x128xi32, #tpu.memory_space<vmem>> -> memref<1x128xi32, #tpu.memory_space<vmem>>
    %dma_start3A_28 = tpu.memref_squeeze %dma_start3A_27 : memref<1x128xi32, #tpu.memory_space<vmem>> -> memref<128xi32, #tpu.memory_space<vmem>>
    %dma_start3A_29 = arith.constant 0 : i32
    %dma_start3A_30 = arith.constant 0 : i32
    %dma_start3A_31 = tpu.memref_slice %arg2[%dma_start3A_29, %dma_start3A_30] : memref<81920x128xf32, #tpu.memory_space<hbm>> -> memref<81920x128xf32, #tpu.memory_space<hbm>>
    tpu.enqueue_indirect_dma source(%dma_start3A_31 : memref<81920x128xf32, #tpu.memory_space<hbm>>) target(%arg9 : memref<128x128xf32, #tpu.memory_space<vmem>>) offsets(%dma_start3A_28 : memref<128xi32, #tpu.memory_space<vmem>>) semaphore(%arg12 : memref<!tpu.dma_semaphore, #tpu.memory_space<semaphore_mem>>)
    %scan3A_32 = arith.constant 0 : i32
    %scan3A_33 = arith.constant 0 : i32
    %scan3A_34 = arith.constant 19 : i32
    %scan3A_35 = arith.addi %scan3A_33, %scan3A_34 : i32
    %scan3A_36 = arith.constant 1 : i32
    scf.for %scan3A_109 = %scan3A_33 to %scan3A_35 step %scan3A_36  : i32 {
      %mul3A_110 = arith.constant 2 : i32
      %mul3A_111 = arith.muli %mul3A_110, %scan3A_109 : i32
      %add3A_112 = arith.constant 0 : i32
      %add3A_113 = arith.addi %mul3A_111, %add3A_112 : i32
      %dma_wait3A_114 = arith.constant 0 : i32
      %dma_wait3A_115 = tpu.memref_slice %arg6[%add3A_113, %dma_wait3A_114] : memref<40x128xi32, #tpu.memory_space<vmem>> -> memref<1x128xi32, #tpu.memory_space<vmem>>
      %dma_wait3A_116 = tpu.memref_squeeze %dma_wait3A_115 : memref<1x128xi32, #tpu.memory_space<vmem>> -> memref<128xi32, #tpu.memory_space<vmem>>
      %dma_wait3A_117 = arith.constant 0 : i32
      %dma_wait3A_118 = arith.constant 0 : i32
      %dma_wait3A_119 = tpu.memref_slice %arg2[%dma_wait3A_117, %dma_wait3A_118] : memref<81920x128xf32, #tpu.memory_space<hbm>> -> memref<81920x128xf32, #tpu.memory_space<hbm>>
      tpu.wait_indirect_dma semaphore(%arg11 : memref<!tpu.dma_semaphore, #tpu.memory_space<semaphore_mem>>) src(%dma_wait3A_119 : memref<81920x128xf32, #tpu.memory_space<hbm>>) dst(%arg8 : memref<128x128xf32, #tpu.memory_space<vmem>>)
      "tpu.region"() ({
        %run_scoped3A_146 = tpu.sem_alloc : memref<!tpu.dma_semaphore, #tpu.memory_space<semaphore_mem>>
        %dma_start3A_147 = arith.constant 0 : i32
        %dma_start3A_148 = tpu.memref_slice %arg7[%add3A_113, %dma_start3A_147] : memref<40x128xi32, #tpu.memory_space<vmem>> -> memref<1x128xi32, #tpu.memory_space<vmem>>
        %dma_start3A_149 = tpu.memref_squeeze %dma_start3A_148 : memref<1x128xi32, #tpu.memory_space<vmem>> -> memref<128xi32, #tpu.memory_space<vmem>>
        %dma_start3A_150 = arith.constant 0 : i32
        %dma_start3A_151 = arith.constant 0 : i32
        %dma_start3A_152 = tpu.memref_slice %arg10[%dma_start3A_150, %dma_start3A_151] : memref<10112x128xf32, #tpu.memory_space<vmem_shared>> -> memref<10112x128xf32, #tpu.memory_space<vmem_shared>>
        tpu.enqueue_indirect_dma source(%arg8 : memref<128x128xf32, #tpu.memory_space<vmem>>) target(%dma_start3A_152 : memref<10112x128xf32, #tpu.memory_space<vmem_shared>>) offsets(%dma_start3A_149 : memref<128xi32, #tpu.memory_space<vmem>>) semaphore(%run_scoped3A_146 : memref<!tpu.dma_semaphore, #tpu.memory_space<semaphore_mem>>) {add = true}
        %dma_wait3A_153 = arith.constant 0 : i32
        %dma_wait3A_154 = tpu.memref_slice %arg7[%add3A_113, %dma_wait3A_153] : memref<40x128xi32, #tpu.memory_space<vmem>> -> memref<1x128xi32, #tpu.memory_space<vmem>>
        %dma_wait3A_155 = tpu.memref_squeeze %dma_wait3A_154 : memref<1x128xi32, #tpu.memory_space<vmem>> -> memref<128xi32, #tpu.memory_space<vmem>>
        %dma_wait3A_156 = arith.constant 0 : i32
        %dma_wait3A_157 = arith.constant 0 : i32
        %dma_wait3A_158 = tpu.memref_slice %arg10[%dma_wait3A_156, %dma_wait3A_157] : memref<10112x128xf32, #tpu.memory_space<vmem_shared>> -> memref<10112x128xf32, #tpu.memory_space<vmem_shared>>
        tpu.wait_indirect_dma semaphore(%run_scoped3A_146 : memref<!tpu.dma_semaphore, #tpu.memory_space<semaphore_mem>>) src(%arg8 : memref<128x128xf32, #tpu.memory_space<vmem>>) dst(%dma_wait3A_158 : memref<10112x128xf32, #tpu.memory_space<vmem_shared>>)
        tpu.yield
      }) : () -> ()
      %add3A_120 = arith.constant 2 : i32
      %add3A_121 = arith.addi %add3A_113, %add3A_120 : i32
      %dma_start3A_122 = arith.constant 0 : i32
      %dma_start3A_123 = tpu.memref_slice %arg6[%add3A_121, %dma_start3A_122] : memref<40x128xi32, #tpu.memory_space<vmem>> -> memref<1x128xi32, #tpu.memory_space<vmem>>
      %dma_start3A_124 = tpu.memref_squeeze %dma_start3A_123 : memref<1x128xi32, #tpu.memory_space<vmem>> -> memref<128xi32, #tpu.memory_space<vmem>>
      %dma_start3A_125 = arith.constant 0 : i32
      %dma_start3A_126 = arith.constant 0 : i32
      %dma_start3A_127 = tpu.memref_slice %arg2[%dma_start3A_125, %dma_start3A_126] : memref<81920x128xf32, #tpu.memory_space<hbm>> -> memref<81920x128xf32, #tpu.memory_space<hbm>>
      tpu.enqueue_indirect_dma source(%dma_start3A_127 : memref<81920x128xf32, #tpu.memory_space<hbm>>) target(%arg8 : memref<128x128xf32, #tpu.memory_space<vmem>>) offsets(%dma_start3A_124 : memref<128xi32, #tpu.memory_space<vmem>>) semaphore(%arg11 : memref<!tpu.dma_semaphore, #tpu.memory_space<semaphore_mem>>)
      %mul3A_128 = arith.constant 2 : i32
      %mul3A_129 = arith.muli %mul3A_128, %scan3A_109 : i32
      %add3A_130 = arith.constant 1 : i32
      %add3A_131 = arith.addi %mul3A_129, %add3A_130 : i32
      %dma_wait3A_132 = arith.constant 0 : i32
      %dma_wait3A_133 = tpu.memref_slice %arg6[%add3A_131, %dma_wait3A_132] : memref<40x128xi32, #tpu.memory_space<vmem>> -> memref<1x128xi32, #tpu.memory_space<vmem>>
      %dma_wait3A_134 = tpu.memref_squeeze %dma_wait3A_133 : memref<1x128xi32, #tpu.memory_space<vmem>> -> memref<128xi32, #tpu.memory_space<vmem>>
      %dma_wait3A_135 = arith.constant 0 : i32
      %dma_wait3A_136 = arith.constant 0 : i32
      %dma_wait3A_137 = tpu.memref_slice %arg2[%dma_wait3A_135, %dma_wait3A_136] : memref<81920x128xf32, #tpu.memory_space<hbm>> -> memref<81920x128xf32, #tpu.memory_space<hbm>>
      tpu.wait_indirect_dma semaphore(%arg12 : memref<!tpu.dma_semaphore, #tpu.memory_space<semaphore_mem>>) src(%dma_wait3A_137 : memref<81920x128xf32, #tpu.memory_space<hbm>>) dst(%arg9 : memref<128x128xf32, #tpu.memory_space<vmem>>)
      "tpu.region"() ({
        %run_scoped3A_146 = tpu.sem_alloc : memref<!tpu.dma_semaphore, #tpu.memory_space<semaphore_mem>>
        %dma_start3A_147 = arith.constant 0 : i32
        %dma_start3A_148 = tpu.memref_slice %arg7[%add3A_131, %dma_start3A_147] : memref<40x128xi32, #tpu.memory_space<vmem>> -> memref<1x128xi32, #tpu.memory_space<vmem>>
        %dma_start3A_149 = tpu.memref_squeeze %dma_start3A_148 : memref<1x128xi32, #tpu.memory_space<vmem>> -> memref<128xi32, #tpu.memory_space<vmem>>
        %dma_start3A_150 = arith.constant 0 : i32
        %dma_start3A_151 = arith.constant 0 : i32
        %dma_start3A_152 = tpu.memref_slice %arg10[%dma_start3A_150, %dma_start3A_151] : memref<10112x128xf32, #tpu.memory_space<vmem_shared>> -> memref<10112x128xf32, #tpu.memory_space<vmem_shared>>
        tpu.enqueue_indirect_dma source(%arg9 : memref<128x128xf32, #tpu.memory_space<vmem>>) target(%dma_start3A_152 : memref<10112x128xf32, #tpu.memory_space<vmem_shared>>) offsets(%dma_start3A_149 : memref<128xi32, #tpu.memory_space<vmem>>) semaphore(%run_scoped3A_146 : memref<!tpu.dma_semaphore, #tpu.memory_space<semaphore_mem>>) {add = true}
        %dma_wait3A_153 = arith.constant 0 : i32
        %dma_wait3A_154 = tpu.memref_slice %arg7[%add3A_131, %dma_wait3A_153] : memref<40x128xi32, #tpu.memory_space<vmem>> -> memref<1x128xi32, #tpu.memory_space<vmem>>
        %dma_wait3A_155 = tpu.memref_squeeze %dma_wait3A_154 : memref<1x128xi32, #tpu.memory_space<vmem>> -> memref<128xi32, #tpu.memory_space<vmem>>
        %dma_wait3A_156 = arith.constant 0 : i32
        %dma_wait3A_157 = arith.constant 0 : i32
        %dma_wait3A_158 = tpu.memref_slice %arg10[%dma_wait3A_156, %dma_wait3A_157] : memref<10112x128xf32, #tpu.memory_space<vmem_shared>> -> memref<10112x128xf32, #tpu.memory_space<vmem_shared>>
        tpu.wait_indirect_dma semaphore(%run_scoped3A_146 : memref<!tpu.dma_semaphore, #tpu.memory_space<semaphore_mem>>) src(%arg9 : memref<128x128xf32, #tpu.memory_space<vmem>>) dst(%dma_wait3A_158 : memref<10112x128xf32, #tpu.memory_space<vmem_shared>>)
        tpu.yield
      }) : () -> ()
      %add3A_138 = arith.constant 2 : i32
      %add3A_139 = arith.addi %add3A_131, %add3A_138 : i32
      %dma_start3A_140 = arith.constant 0 : i32
      %dma_start3A_141 = tpu.memref_slice %arg6[%add3A_139, %dma_start3A_140] : memref<40x128xi32, #tpu.memory_space<vmem>> -> memref<1x128xi32, #tpu.memory_space<vmem>>
      %dma_start3A_142 = tpu.memref_squeeze %dma_start3A_141 : memref<1x128xi32, #tpu.memory_space<vmem>> -> memref<128xi32, #tpu.memory_space<vmem>>
      %dma_start3A_143 = arith.constant 0 : i32
      %dma_start3A_144 = arith.constant 0 : i32
      %dma_start3A_145 = tpu.memref_slice %arg2[%dma_start3A_143, %dma_start3A_144] : memref<81920x128xf32, #tpu.memory_space<hbm>> -> memref<81920x128xf32, #tpu.memory_space<hbm>>
      tpu.enqueue_indirect_dma source(%dma_start3A_145 : memref<81920x128xf32, #tpu.memory_space<hbm>>) target(%arg9 : memref<128x128xf32, #tpu.memory_space<vmem>>) offsets(%dma_start3A_142 : memref<128xi32, #tpu.memory_space<vmem>>) semaphore(%arg12 : memref<!tpu.dma_semaphore, #tpu.memory_space<semaphore_mem>>)
    }
    %scan3A_37 = arith.constant 19 : i32
    %dma_wait3A = arith.constant 38 : i32
    %dma_wait3A_38 = arith.constant 0 : i32
    %dma_wait3A_39 = tpu.memref_slice %arg6[%dma_wait3A, %dma_wait3A_38] : memref<40x128xi32, #tpu.memory_space<vmem>> -> memref<1x128xi32, #tpu.memory_space<vmem>>
    %dma_wait3A_40 = tpu.memref_squeeze %dma_wait3A_39 : memref<1x128xi32, #tpu.memory_space<vmem>> -> memref<128xi32, #tpu.memory_space<vmem>>
    %dma_wait3A_41 = arith.constant 0 : i32
    %dma_wait3A_42 = arith.constant 0 : i32
    %dma_wait3A_43 = tpu.memref_slice %arg2[%dma_wait3A_41, %dma_wait3A_42] : memref<81920x128xf32, #tpu.memory_space<hbm>> -> memref<81920x128xf32, #tpu.memory_space<hbm>>
    tpu.wait_indirect_dma semaphore(%arg11 : memref<!tpu.dma_semaphore, #tpu.memory_space<semaphore_mem>>) src(%dma_wait3A_43 : memref<81920x128xf32, #tpu.memory_space<hbm>>) dst(%arg8 : memref<128x128xf32, #tpu.memory_space<vmem>>)
    %run_scoped3A = arith.constant 38 : i32
    "tpu.region"() ({
      %run_scoped3A_109 = tpu.sem_alloc : memref<!tpu.dma_semaphore, #tpu.memory_space<semaphore_mem>>
      %dma_start3A_110 = arith.constant 0 : i32
      %dma_start3A_111 = tpu.memref_slice %arg7[%run_scoped3A, %dma_start3A_110] : memref<40x128xi32, #tpu.memory_space<vmem>> -> memref<1x128xi32, #tpu.memory_space<vmem>>
      %dma_start3A_112 = tpu.memref_squeeze %dma_start3A_111 : memref<1x128xi32, #tpu.memory_space<vmem>> -> memref<128xi32, #tpu.memory_space<vmem>>
      %dma_start3A_113 = arith.constant 0 : i32
      %dma_start3A_114 = arith.constant 0 : i32
      %dma_start3A_115 = tpu.memref_slice %arg10[%dma_start3A_113, %dma_start3A_114] : memref<10112x128xf32, #tpu.memory_space<vmem_shared>> -> memref<10112x128xf32, #tpu.memory_space<vmem_shared>>
      tpu.enqueue_indirect_dma source(%arg8 : memref<128x128xf32, #tpu.memory_space<vmem>>) target(%dma_start3A_115 : memref<10112x128xf32, #tpu.memory_space<vmem_shared>>) offsets(%dma_start3A_112 : memref<128xi32, #tpu.memory_space<vmem>>) semaphore(%run_scoped3A_109 : memref<!tpu.dma_semaphore, #tpu.memory_space<semaphore_mem>>) {add = true}
      %dma_wait3A_116 = arith.constant 0 : i32
      %dma_wait3A_117 = tpu.memref_slice %arg7[%run_scoped3A, %dma_wait3A_116] : memref<40x128xi32, #tpu.memory_space<vmem>> -> memref<1x128xi32, #tpu.memory_space<vmem>>
      %dma_wait3A_118 = tpu.memref_squeeze %dma_wait3A_117 : memref<1x128xi32, #tpu.memory_space<vmem>> -> memref<128xi32, #tpu.memory_space<vmem>>
      %dma_wait3A_119 = arith.constant 0 : i32
      %dma_wait3A_120 = arith.constant 0 : i32
      %dma_wait3A_121 = tpu.memref_slice %arg10[%dma_wait3A_119, %dma_wait3A_120] : memref<10112x128xf32, #tpu.memory_space<vmem_shared>> -> memref<10112x128xf32, #tpu.memory_space<vmem_shared>>
      tpu.wait_indirect_dma semaphore(%run_scoped3A_109 : memref<!tpu.dma_semaphore, #tpu.memory_space<semaphore_mem>>) src(%arg8 : memref<128x128xf32, #tpu.memory_space<vmem>>) dst(%dma_wait3A_121 : memref<10112x128xf32, #tpu.memory_space<vmem_shared>>)
      tpu.yield
    }) : () -> ()
    %dma_wait3A_44 = arith.constant 39 : i32
    %dma_wait3A_45 = arith.constant 0 : i32
    %dma_wait3A_46 = tpu.memref_slice %arg6[%dma_wait3A_44, %dma_wait3A_45] : memref<40x128xi32, #tpu.memory_space<vmem>> -> memref<1x128xi32, #tpu.memory_space<vmem>>
    %dma_wait3A_47 = tpu.memref_squeeze %dma_wait3A_46 : memref<1x128xi32, #tpu.memory_space<vmem>> -> memref<128xi32, #tpu.memory_space<vmem>>
    %dma_wait3A_48 = arith.constant 0 : i32
    %dma_wait3A_49 = arith.constant 0 : i32
    %dma_wait3A_50 = tpu.memref_slice %arg2[%dma_wait3A_48, %dma_wait3A_49] : memref<81920x128xf32, #tpu.memory_space<hbm>> -> memref<81920x128xf32, #tpu.memory_space<hbm>>
    tpu.wait_indirect_dma semaphore(%arg12 : memref<!tpu.dma_semaphore, #tpu.memory_space<semaphore_mem>>) src(%dma_wait3A_50 : memref<81920x128xf32, #tpu.memory_space<hbm>>) dst(%arg9 : memref<128x128xf32, #tpu.memory_space<vmem>>)
    %run_scoped3A_51 = arith.constant 39 : i32
    "tpu.region"() ({
      %run_scoped3A_109 = tpu.sem_alloc : memref<!tpu.dma_semaphore, #tpu.memory_space<semaphore_mem>>
      %dma_start3A_110 = arith.constant 0 : i32
      %dma_start3A_111 = tpu.memref_slice %arg7[%run_scoped3A_51, %dma_start3A_110] : memref<40x128xi32, #tpu.memory_space<vmem>> -> memref<1x128xi32, #tpu.memory_space<vmem>>
      %dma_start3A_112 = tpu.memref_squeeze %dma_start3A_111 : memref<1x128xi32, #tpu.memory_space<vmem>> -> memref<128xi32, #tpu.memory_space<vmem>>
      %dma_start3A_113 = arith.constant 0 : i32
      %dma_start3A_114 = arith.constant 0 : i32
      %dma_start3A_115 = tpu.memref_slice %arg10[%dma_start3A_113, %dma_start3A_114] : memref<10112x128xf32, #tpu.memory_space<vmem_shared>> -> memref<10112x128xf32, #tpu.memory_space<vmem_shared>>
      tpu.enqueue_indirect_dma source(%arg9 : memref<128x128xf32, #tpu.memory_space<vmem>>) target(%dma_start3A_115 : memref<10112x128xf32, #tpu.memory_space<vmem_shared>>) offsets(%dma_start3A_112 : memref<128xi32, #tpu.memory_space<vmem>>) semaphore(%run_scoped3A_109 : memref<!tpu.dma_semaphore, #tpu.memory_space<semaphore_mem>>) {add = true}
      %dma_wait3A_116 = arith.constant 0 : i32
      %dma_wait3A_117 = tpu.memref_slice %arg7[%run_scoped3A_51, %dma_wait3A_116] : memref<40x128xi32, #tpu.memory_space<vmem>> -> memref<1x128xi32, #tpu.memory_space<vmem>>
      %dma_wait3A_118 = tpu.memref_squeeze %dma_wait3A_117 : memref<1x128xi32, #tpu.memory_space<vmem>> -> memref<128xi32, #tpu.memory_space<vmem>>
      %dma_wait3A_119 = arith.constant 0 : i32
      %dma_wait3A_120 = arith.constant 0 : i32
      %dma_wait3A_121 = tpu.memref_slice %arg10[%dma_wait3A_119, %dma_wait3A_120] : memref<10112x128xf32, #tpu.memory_space<vmem_shared>> -> memref<10112x128xf32, #tpu.memory_space<vmem_shared>>
      tpu.wait_indirect_dma semaphore(%run_scoped3A_109 : memref<!tpu.dma_semaphore, #tpu.memory_space<semaphore_mem>>) src(%arg9 : memref<128x128xf32, #tpu.memory_space<vmem>>) dst(%dma_wait3A_121 : memref<10112x128xf32, #tpu.memory_space<vmem_shared>>)
      tpu.yield
    }) : () -> ()
    "tpu.region"() ({
      %run_scoped3A_109 = tpu.sem_alloc : memref<!tpu.dma_semaphore, #tpu.memory_space<semaphore_mem>>
      %dma_start3A_110 = arith.constant 40 : i32
      %dma_start3A_111 = arith.constant 0 : i32
      %dma_start3A_112 = tpu.memref_slice %arg3[%add3A, %dma_start3A_110, %dma_start3A_111] : memref<32x80x128xi32, #tpu.memory_space<hbm>> -> memref<1x40x128xi32, #tpu.memory_space<hbm>>
      %dma_start3A_113 = tpu.memref_squeeze %dma_start3A_112 : memref<1x40x128xi32, #tpu.memory_space<hbm>> -> memref<40x128xi32, #tpu.memory_space<hbm>>
      %dma_start3A_114 = arith.constant 40 : i32
      %dma_start3A_115 = arith.constant 0 : i32
      %dma_start3A_116 = tpu.memref_slice %arg3[%add3A, %dma_start3A_114, %dma_start3A_115] : memref<32x80x128xi32, #tpu.memory_space<hbm>> -> memref<1x40x128xi32, #tpu.memory_space<hbm>>
      %dma_start3A_117 = tpu.memref_squeeze %dma_start3A_116 : memref<1x40x128xi32, #tpu.memory_space<hbm>> -> memref<40x128xi32, #tpu.memory_space<hbm>>
      tpu.enqueue_dma source(%dma_start3A_117 : memref<40x128xi32, #tpu.memory_space<hbm>>) target(%arg6 : memref<40x128xi32, #tpu.memory_space<vmem>>) target_semaphore(%run_scoped3A_109 : memref<!tpu.dma_semaphore, #tpu.memory_space<semaphore_mem>>)
      %dma_wait3A_118 = arith.constant 40 : i32
      %dma_wait3A_119 = arith.constant 0 : i32
      %dma_wait3A_120 = tpu.memref_slice %arg3[%add3A, %dma_wait3A_118, %dma_wait3A_119] : memref<32x80x128xi32, #tpu.memory_space<hbm>> -> memref<1x40x128xi32, #tpu.memory_space<hbm>>
      %dma_wait3A_121 = tpu.memref_squeeze %dma_wait3A_120 : memref<1x40x128xi32, #tpu.memory_space<hbm>> -> memref<40x128xi32, #tpu.memory_space<hbm>>
      %dma_wait3A_122 = arith.constant 40 : i32
      %dma_wait3A_123 = arith.constant 0 : i32
      %dma_wait3A_124 = tpu.memref_slice %arg3[%add3A, %dma_wait3A_122, %dma_wait3A_123] : memref<32x80x128xi32, #tpu.memory_space<hbm>> -> memref<1x40x128xi32, #tpu.memory_space<hbm>>
      %dma_wait3A_125 = tpu.memref_squeeze %dma_wait3A_124 : memref<1x40x128xi32, #tpu.memory_space<hbm>> -> memref<40x128xi32, #tpu.memory_space<hbm>>
      tpu.wait_dma2 semaphore(%run_scoped3A_109 : memref<!tpu.dma_semaphore, #tpu.memory_space<semaphore_mem>>) src(%dma_wait3A_125 : memref<40x128xi32, #tpu.memory_space<hbm>>) dst(%arg6 : memref<40x128xi32, #tpu.memory_space<vmem>>)
      tpu.yield
    }) : () -> ()
    "tpu.region"() ({
      %run_scoped3A_109 = tpu.sem_alloc : memref<!tpu.dma_semaphore, #tpu.memory_space<semaphore_mem>>
      %dma_start3A_110 = arith.constant 40 : i32
      %dma_start3A_111 = arith.constant 0 : i32
      %dma_start3A_112 = tpu.memref_slice %arg4[%add3A, %dma_start3A_110, %dma_start3A_111] : memref<32x80x128xi32, #tpu.memory_space<hbm>> -> memref<1x40x128xi32, #tpu.memory_space<hbm>>
      %dma_start3A_113 = tpu.memref_squeeze %dma_start3A_112 : memref<1x40x128xi32, #tpu.memory_space<hbm>> -> memref<40x128xi32, #tpu.memory_space<hbm>>
      %dma_start3A_114 = arith.constant 40 : i32
      %dma_start3A_115 = arith.constant 0 : i32
      %dma_start3A_116 = tpu.memref_slice %arg4[%add3A, %dma_start3A_114, %dma_start3A_115] : memref<32x80x128xi32, #tpu.memory_space<hbm>> -> memref<1x40x128xi32, #tpu.memory_space<hbm>>
      %dma_start3A_117 = tpu.memref_squeeze %dma_start3A_116 : memref<1x40x128xi32, #tpu.memory_space<hbm>> -> memref<40x128xi32, #tpu.memory_space<hbm>>
      tpu.enqueue_dma source(%dma_start3A_117 : memref<40x128xi32, #tpu.memory_space<hbm>>) target(%arg7 : memref<40x128xi32, #tpu.memory_space<vmem>>) target_semaphore(%run_scoped3A_109 : memref<!tpu.dma_semaphore, #tpu.memory_space<semaphore_mem>>)
      %dma_wait3A_118 = arith.constant 40 : i32
      %dma_wait3A_119 = arith.constant 0 : i32
      %dma_wait3A_120 = tpu.memref_slice %arg4[%add3A, %dma_wait3A_118, %dma_wait3A_119] : memref<32x80x128xi32, #tpu.memory_space<hbm>> -> memref<1x40x128xi32, #tpu.memory_space<hbm>>
      %dma_wait3A_121 = tpu.memref_squeeze %dma_wait3A_120 : memref<1x40x128xi32, #tpu.memory_space<hbm>> -> memref<40x128xi32, #tpu.memory_space<hbm>>
      %dma_wait3A_122 = arith.constant 40 : i32
      %dma_wait3A_123 = arith.constant 0 : i32
      %dma_wait3A_124 = tpu.memref_slice %arg4[%add3A, %dma_wait3A_122, %dma_wait3A_123] : memref<32x80x128xi32, #tpu.memory_space<hbm>> -> memref<1x40x128xi32, #tpu.memory_space<hbm>>
      %dma_wait3A_125 = tpu.memref_squeeze %dma_wait3A_124 : memref<1x40x128xi32, #tpu.memory_space<hbm>> -> memref<40x128xi32, #tpu.memory_space<hbm>>
      tpu.wait_dma2 semaphore(%run_scoped3A_109 : memref<!tpu.dma_semaphore, #tpu.memory_space<semaphore_mem>>) src(%dma_wait3A_125 : memref<40x128xi32, #tpu.memory_space<hbm>>) dst(%arg7 : memref<40x128xi32, #tpu.memory_space<vmem>>)
      tpu.yield
    }) : () -> ()
    %dma_start3A_52 = arith.constant 0 : i32
    %dma_start3A_53 = arith.constant 0 : i32
    %dma_start3A_54 = tpu.memref_slice %arg6[%dma_start3A_52, %dma_start3A_53] : memref<40x128xi32, #tpu.memory_space<vmem>> -> memref<1x128xi32, #tpu.memory_space<vmem>>
    %dma_start3A_55 = tpu.memref_squeeze %dma_start3A_54 : memref<1x128xi32, #tpu.memory_space<vmem>> -> memref<128xi32, #tpu.memory_space<vmem>>
    %dma_start3A_56 = arith.constant 0 : i32
    %dma_start3A_57 = arith.constant 0 : i32
    %dma_start3A_58 = tpu.memref_slice %arg2[%dma_start3A_56, %dma_start3A_57] : memref<81920x128xf32, #tpu.memory_space<hbm>> -> memref<81920x128xf32, #tpu.memory_space<hbm>>
    tpu.enqueue_indirect_dma source(%dma_start3A_58 : memref<81920x128xf32, #tpu.memory_space<hbm>>) target(%arg8 : memref<128x128xf32, #tpu.memory_space<vmem>>) offsets(%dma_start3A_55 : memref<128xi32, #tpu.memory_space<vmem>>) semaphore(%arg11 : memref<!tpu.dma_semaphore, #tpu.memory_space<semaphore_mem>>)
    %dma_start3A_59 = arith.constant 1 : i32
    %dma_start3A_60 = arith.constant 0 : i32
    %dma_start3A_61 = tpu.memref_slice %arg6[%dma_start3A_59, %dma_start3A_60] : memref<40x128xi32, #tpu.memory_space<vmem>> -> memref<1x128xi32, #tpu.memory_space<vmem>>
    %dma_start3A_62 = tpu.memref_squeeze %dma_start3A_61 : memref<1x128xi32, #tpu.memory_space<vmem>> -> memref<128xi32, #tpu.memory_space<vmem>>
    %dma_start3A_63 = arith.constant 0 : i32
    %dma_start3A_64 = arith.constant 0 : i32
    %dma_start3A_65 = tpu.memref_slice %arg2[%dma_start3A_63, %dma_start3A_64] : memref<81920x128xf32, #tpu.memory_space<hbm>> -> memref<81920x128xf32, #tpu.memory_space<hbm>>
    tpu.enqueue_indirect_dma source(%dma_start3A_65 : memref<81920x128xf32, #tpu.memory_space<hbm>>) target(%arg9 : memref<128x128xf32, #tpu.memory_space<vmem>>) offsets(%dma_start3A_62 : memref<128xi32, #tpu.memory_space<vmem>>) semaphore(%arg12 : memref<!tpu.dma_semaphore, #tpu.memory_space<semaphore_mem>>)
    %scan3A_66 = arith.constant 0 : i32
    %scan3A_67 = arith.constant 0 : i32
    %scan3A_68 = arith.constant 19 : i32
    %scan3A_69 = arith.addi %scan3A_67, %scan3A_68 : i32
    %scan3A_70 = arith.constant 1 : i32
    scf.for %scan3A_109 = %scan3A_67 to %scan3A_69 step %scan3A_70  : i32 {
      %mul3A_110 = arith.constant 2 : i32
      %mul3A_111 = arith.muli %mul3A_110, %scan3A_109 : i32
      %add3A_112 = arith.constant 0 : i32
      %add3A_113 = arith.addi %mul3A_111, %add3A_112 : i32
      %dma_wait3A_114 = arith.constant 0 : i32
      %dma_wait3A_115 = tpu.memref_slice %arg6[%add3A_113, %dma_wait3A_114] : memref<40x128xi32, #tpu.memory_space<vmem>> -> memref<1x128xi32, #tpu.memory_space<vmem>>
      %dma_wait3A_116 = tpu.memref_squeeze %dma_wait3A_115 : memref<1x128xi32, #tpu.memory_space<vmem>> -> memref<128xi32, #tpu.memory_space<vmem>>
      %dma_wait3A_117 = arith.constant 0 : i32
      %dma_wait3A_118 = arith.constant 0 : i32
      %dma_wait3A_119 = tpu.memref_slice %arg2[%dma_wait3A_117, %dma_wait3A_118] : memref<81920x128xf32, #tpu.memory_space<hbm>> -> memref<81920x128xf32, #tpu.memory_space<hbm>>
      tpu.wait_indirect_dma semaphore(%arg11 : memref<!tpu.dma_semaphore, #tpu.memory_space<semaphore_mem>>) src(%dma_wait3A_119 : memref<81920x128xf32, #tpu.memory_space<hbm>>) dst(%arg8 : memref<128x128xf32, #tpu.memory_space<vmem>>)
      "tpu.region"() ({
        %run_scoped3A_146 = tpu.sem_alloc : memref<!tpu.dma_semaphore, #tpu.memory_space<semaphore_mem>>
        %dma_start3A_147 = arith.constant 0 : i32
        %dma_start3A_148 = tpu.memref_slice %arg7[%add3A_113, %dma_start3A_147] : memref<40x128xi32, #tpu.memory_space<vmem>> -> memref<1x128xi32, #tpu.memory_space<vmem>>
        %dma_start3A_149 = tpu.memref_squeeze %dma_start3A_148 : memref<1x128xi32, #tpu.memory_space<vmem>> -> memref<128xi32, #tpu.memory_space<vmem>>
        %dma_start3A_150 = arith.constant 0 : i32
        %dma_start3A_151 = arith.constant 0 : i32
        %dma_start3A_152 = tpu.memref_slice %arg10[%dma_start3A_150, %dma_start3A_151] : memref<10112x128xf32, #tpu.memory_space<vmem_shared>> -> memref<10112x128xf32, #tpu.memory_space<vmem_shared>>
        tpu.enqueue_indirect_dma source(%arg8 : memref<128x128xf32, #tpu.memory_space<vmem>>) target(%dma_start3A_152 : memref<10112x128xf32, #tpu.memory_space<vmem_shared>>) offsets(%dma_start3A_149 : memref<128xi32, #tpu.memory_space<vmem>>) semaphore(%run_scoped3A_146 : memref<!tpu.dma_semaphore, #tpu.memory_space<semaphore_mem>>) {add = true}
        %dma_wait3A_153 = arith.constant 0 : i32
        %dma_wait3A_154 = tpu.memref_slice %arg7[%add3A_113, %dma_wait3A_153] : memref<40x128xi32, #tpu.memory_space<vmem>> -> memref<1x128xi32, #tpu.memory_space<vmem>>
        %dma_wait3A_155 = tpu.memref_squeeze %dma_wait3A_154 : memref<1x128xi32, #tpu.memory_space<vmem>> -> memref<128xi32, #tpu.memory_space<vmem>>
        %dma_wait3A_156 = arith.constant 0 : i32
        %dma_wait3A_157 = arith.constant 0 : i32
        %dma_wait3A_158 = tpu.memref_slice %arg10[%dma_wait3A_156, %dma_wait3A_157] : memref<10112x128xf32, #tpu.memory_space<vmem_shared>> -> memref<10112x128xf32, #tpu.memory_space<vmem_shared>>
        tpu.wait_indirect_dma semaphore(%run_scoped3A_146 : memref<!tpu.dma_semaphore, #tpu.memory_space<semaphore_mem>>) src(%arg8 : memref<128x128xf32, #tpu.memory_space<vmem>>) dst(%dma_wait3A_158 : memref<10112x128xf32, #tpu.memory_space<vmem_shared>>)
        tpu.yield
      }) : () -> ()
      %add3A_120 = arith.constant 2 : i32
      %add3A_121 = arith.addi %add3A_113, %add3A_120 : i32
      %dma_start3A_122 = arith.constant 0 : i32
      %dma_start3A_123 = tpu.memref_slice %arg6[%add3A_121, %dma_start3A_122] : memref<40x128xi32, #tpu.memory_space<vmem>> -> memref<1x128xi32, #tpu.memory_space<vmem>>
      %dma_start3A_124 = tpu.memref_squeeze %dma_start3A_123 : memref<1x128xi32, #tpu.memory_space<vmem>> -> memref<128xi32, #tpu.memory_space<vmem>>
      %dma_start3A_125 = arith.constant 0 : i32
      %dma_start3A_126 = arith.constant 0 : i32
      %dma_start3A_127 = tpu.memref_slice %arg2[%dma_start3A_125, %dma_start3A_126] : memref<81920x128xf32, #tpu.memory_space<hbm>> -> memref<81920x128xf32, #tpu.memory_space<hbm>>
      tpu.enqueue_indirect_dma source(%dma_start3A_127 : memref<81920x128xf32, #tpu.memory_space<hbm>>) target(%arg8 : memref<128x128xf32, #tpu.memory_space<vmem>>) offsets(%dma_start3A_124 : memref<128xi32, #tpu.memory_space<vmem>>) semaphore(%arg11 : memref<!tpu.dma_semaphore, #tpu.memory_space<semaphore_mem>>)
      %mul3A_128 = arith.constant 2 : i32
      %mul3A_129 = arith.muli %mul3A_128, %scan3A_109 : i32
      %add3A_130 = arith.constant 1 : i32
      %add3A_131 = arith.addi %mul3A_129, %add3A_130 : i32
      %dma_wait3A_132 = arith.constant 0 : i32
      %dma_wait3A_133 = tpu.memref_slice %arg6[%add3A_131, %dma_wait3A_132] : memref<40x128xi32, #tpu.memory_space<vmem>> -> memref<1x128xi32, #tpu.memory_space<vmem>>
      %dma_wait3A_134 = tpu.memref_squeeze %dma_wait3A_133 : memref<1x128xi32, #tpu.memory_space<vmem>> -> memref<128xi32, #tpu.memory_space<vmem>>
      %dma_wait3A_135 = arith.constant 0 : i32
      %dma_wait3A_136 = arith.constant 0 : i32
      %dma_wait3A_137 = tpu.memref_slice %arg2[%dma_wait3A_135, %dma_wait3A_136] : memref<81920x128xf32, #tpu.memory_space<hbm>> -> memref<81920x128xf32, #tpu.memory_space<hbm>>
      tpu.wait_indirect_dma semaphore(%arg12 : memref<!tpu.dma_semaphore, #tpu.memory_space<semaphore_mem>>) src(%dma_wait3A_137 : memref<81920x128xf32, #tpu.memory_space<hbm>>) dst(%arg9 : memref<128x128xf32, #tpu.memory_space<vmem>>)
      "tpu.region"() ({
        %run_scoped3A_146 = tpu.sem_alloc : memref<!tpu.dma_semaphore, #tpu.memory_space<semaphore_mem>>
        %dma_start3A_147 = arith.constant 0 : i32
        %dma_start3A_148 = tpu.memref_slice %arg7[%add3A_131, %dma_start3A_147] : memref<40x128xi32, #tpu.memory_space<vmem>> -> memref<1x128xi32, #tpu.memory_space<vmem>>
        %dma_start3A_149 = tpu.memref_squeeze %dma_start3A_148 : memref<1x128xi32, #tpu.memory_space<vmem>> -> memref<128xi32, #tpu.memory_space<vmem>>
        %dma_start3A_150 = arith.constant 0 : i32
        %dma_start3A_151 = arith.constant 0 : i32
        %dma_start3A_152 = tpu.memref_slice %arg10[%dma_start3A_150, %dma_start3A_151] : memref<10112x128xf32, #tpu.memory_space<vmem_shared>> -> memref<10112x128xf32, #tpu.memory_space<vmem_shared>>
        tpu.enqueue_indirect_dma source(%arg9 : memref<128x128xf32, #tpu.memory_space<vmem>>) target(%dma_start3A_152 : memref<10112x128xf32, #tpu.memory_space<vmem_shared>>) offsets(%dma_start3A_149 : memref<128xi32, #tpu.memory_space<vmem>>) semaphore(%run_scoped3A_146 : memref<!tpu.dma_semaphore, #tpu.memory_space<semaphore_mem>>) {add = true}
        %dma_wait3A_153 = arith.constant 0 : i32
        %dma_wait3A_154 = tpu.memref_slice %arg7[%add3A_131, %dma_wait3A_153] : memref<40x128xi32, #tpu.memory_space<vmem>> -> memref<1x128xi32, #tpu.memory_space<vmem>>
        %dma_wait3A_155 = tpu.memref_squeeze %dma_wait3A_154 : memref<1x128xi32, #tpu.memory_space<vmem>> -> memref<128xi32, #tpu.memory_space<vmem>>
        %dma_wait3A_156 = arith.constant 0 : i32
        %dma_wait3A_157 = arith.constant 0 : i32
        %dma_wait3A_158 = tpu.memref_slice %arg10[%dma_wait3A_156, %dma_wait3A_157] : memref<10112x128xf32, #tpu.memory_space<vmem_shared>> -> memref<10112x128xf32, #tpu.memory_space<vmem_shared>>
        tpu.wait_indirect_dma semaphore(%run_scoped3A_146 : memref<!tpu.dma_semaphore, #tpu.memory_space<semaphore_mem>>) src(%arg9 : memref<128x128xf32, #tpu.memory_space<vmem>>) dst(%dma_wait3A_158 : memref<10112x128xf32, #tpu.memory_space<vmem_shared>>)
        tpu.yield
      }) : () -> ()
      %add3A_138 = arith.constant 2 : i32
      %add3A_139 = arith.addi %add3A_131, %add3A_138 : i32
      %dma_start3A_140 = arith.constant 0 : i32
      %dma_start3A_141 = tpu.memref_slice %arg6[%add3A_139, %dma_start3A_140] : memref<40x128xi32, #tpu.memory_space<vmem>> -> memref<1x128xi32, #tpu.memory_space<vmem>>
      %dma_start3A_142 = tpu.memref_squeeze %dma_start3A_141 : memref<1x128xi32, #tpu.memory_space<vmem>> -> memref<128xi32, #tpu.memory_space<vmem>>
      %dma_start3A_143 = arith.constant 0 : i32
      %dma_start3A_144 = arith.constant 0 : i32
      %dma_start3A_145 = tpu.memref_slice %arg2[%dma_start3A_143, %dma_start3A_144] : memref<81920x128xf32, #tpu.memory_space<hbm>> -> memref<81920x128xf32, #tpu.memory_space<hbm>>
      tpu.enqueue_indirect_dma source(%dma_start3A_145 : memref<81920x128xf32, #tpu.memory_space<hbm>>) target(%arg9 : memref<128x128xf32, #tpu.memory_space<vmem>>) offsets(%dma_start3A_142 : memref<128xi32, #tpu.memory_space<vmem>>) semaphore(%arg12 : memref<!tpu.dma_semaphore, #tpu.memory_space<semaphore_mem>>)
    }
    %scan3A_71 = arith.constant 19 : i32
    %dma_wait3A_72 = arith.constant 38 : i32
    %dma_wait3A_73 = arith.constant 0 : i32
    %dma_wait3A_74 = tpu.memref_slice %arg6[%dma_wait3A_72, %dma_wait3A_73] : memref<40x128xi32, #tpu.memory_space<vmem>> -> memref<1x128xi32, #tpu.memory_space<vmem>>
    %dma_wait3A_75 = tpu.memref_squeeze %dma_wait3A_74 : memref<1x128xi32, #tpu.memory_space<vmem>> -> memref<128xi32, #tpu.memory_space<vmem>>
    %dma_wait3A_76 = arith.constant 0 : i32
    %dma_wait3A_77 = arith.constant 0 : i32
    %dma_wait3A_78 = tpu.memref_slice %arg2[%dma_wait3A_76, %dma_wait3A_77] : memref<81920x128xf32, #tpu.memory_space<hbm>> -> memref<81920x128xf32, #tpu.memory_space<hbm>>
    tpu.wait_indirect_dma semaphore(%arg11 : memref<!tpu.dma_semaphore, #tpu.memory_space<semaphore_mem>>) src(%dma_wait3A_78 : memref<81920x128xf32, #tpu.memory_space<hbm>>) dst(%arg8 : memref<128x128xf32, #tpu.memory_space<vmem>>)
    %run_scoped3A_79 = arith.constant 38 : i32
    "tpu.region"() ({
      %run_scoped3A_109 = tpu.sem_alloc : memref<!tpu.dma_semaphore, #tpu.memory_space<semaphore_mem>>
      %dma_start3A_110 = arith.constant 0 : i32
      %dma_start3A_111 = tpu.memref_slice %arg7[%run_scoped3A_79, %dma_start3A_110] : memref<40x128xi32, #tpu.memory_space<vmem>> -> memref<1x128xi32, #tpu.memory_space<vmem>>
      %dma_start3A_112 = tpu.memref_squeeze %dma_start3A_111 : memref<1x128xi32, #tpu.memory_space<vmem>> -> memref<128xi32, #tpu.memory_space<vmem>>
      %dma_start3A_113 = arith.constant 0 : i32
      %dma_start3A_114 = arith.constant 0 : i32
      %dma_start3A_115 = tpu.memref_slice %arg10[%dma_start3A_113, %dma_start3A_114] : memref<10112x128xf32, #tpu.memory_space<vmem_shared>> -> memref<10112x128xf32, #tpu.memory_space<vmem_shared>>
      tpu.enqueue_indirect_dma source(%arg8 : memref<128x128xf32, #tpu.memory_space<vmem>>) target(%dma_start3A_115 : memref<10112x128xf32, #tpu.memory_space<vmem_shared>>) offsets(%dma_start3A_112 : memref<128xi32, #tpu.memory_space<vmem>>) semaphore(%run_scoped3A_109 : memref<!tpu.dma_semaphore, #tpu.memory_space<semaphore_mem>>) {add = true}
      %dma_wait3A_116 = arith.constant 0 : i32
      %dma_wait3A_117 = tpu.memref_slice %arg7[%run_scoped3A_79, %dma_wait3A_116] : memref<40x128xi32, #tpu.memory_space<vmem>> -> memref<1x128xi32, #tpu.memory_space<vmem>>
      %dma_wait3A_118 = tpu.memref_squeeze %dma_wait3A_117 : memref<1x128xi32, #tpu.memory_space<vmem>> -> memref<128xi32, #tpu.memory_space<vmem>>
      %dma_wait3A_119 = arith.constant 0 : i32
      %dma_wait3A_120 = arith.constant 0 : i32
      %dma_wait3A_121 = tpu.memref_slice %arg10[%dma_wait3A_119, %dma_wait3A_120] : memref<10112x128xf32, #tpu.memory_space<vmem_shared>> -> memref<10112x128xf32, #tpu.memory_space<vmem_shared>>
      tpu.wait_indirect_dma semaphore(%run_scoped3A_109 : memref<!tpu.dma_semaphore, #tpu.memory_space<semaphore_mem>>) src(%arg8 : memref<128x128xf32, #tpu.memory_space<vmem>>) dst(%dma_wait3A_121 : memref<10112x128xf32, #tpu.memory_space<vmem_shared>>)
      tpu.yield
    }) : () -> ()
    %dma_wait3A_80 = arith.constant 39 : i32
    %dma_wait3A_81 = arith.constant 0 : i32
    %dma_wait3A_82 = tpu.memref_slice %arg6[%dma_wait3A_80, %dma_wait3A_81] : memref<40x128xi32, #tpu.memory_space<vmem>> -> memref<1x128xi32, #tpu.memory_space<vmem>>
    %dma_wait3A_83 = tpu.memref_squeeze %dma_wait3A_82 : memref<1x128xi32, #tpu.memory_space<vmem>> -> memref<128xi32, #tpu.memory_space<vmem>>
    %dma_wait3A_84 = arith.constant 0 : i32
    %dma_wait3A_85 = arith.constant 0 : i32
    %dma_wait3A_86 = tpu.memref_slice %arg2[%dma_wait3A_84, %dma_wait3A_85] : memref<81920x128xf32, #tpu.memory_space<hbm>> -> memref<81920x128xf32, #tpu.memory_space<hbm>>
    tpu.wait_indirect_dma semaphore(%arg12 : memref<!tpu.dma_semaphore, #tpu.memory_space<semaphore_mem>>) src(%dma_wait3A_86 : memref<81920x128xf32, #tpu.memory_space<hbm>>) dst(%arg9 : memref<128x128xf32, #tpu.memory_space<vmem>>)
    %run_scoped3A_87 = arith.constant 39 : i32
    "tpu.region"() ({
      %run_scoped3A_109 = tpu.sem_alloc : memref<!tpu.dma_semaphore, #tpu.memory_space<semaphore_mem>>
      %dma_start3A_110 = arith.constant 0 : i32
      %dma_start3A_111 = tpu.memref_slice %arg7[%run_scoped3A_87, %dma_start3A_110] : memref<40x128xi32, #tpu.memory_space<vmem>> -> memref<1x128xi32, #tpu.memory_space<vmem>>
      %dma_start3A_112 = tpu.memref_squeeze %dma_start3A_111 : memref<1x128xi32, #tpu.memory_space<vmem>> -> memref<128xi32, #tpu.memory_space<vmem>>
      %dma_start3A_113 = arith.constant 0 : i32
      %dma_start3A_114 = arith.constant 0 : i32
      %dma_start3A_115 = tpu.memref_slice %arg10[%dma_start3A_113, %dma_start3A_114] : memref<10112x128xf32, #tpu.memory_space<vmem_shared>> -> memref<10112x128xf32, #tpu.memory_space<vmem_shared>>
      tpu.enqueue_indirect_dma source(%arg9 : memref<128x128xf32, #tpu.memory_space<vmem>>) target(%dma_start3A_115 : memref<10112x128xf32, #tpu.memory_space<vmem_shared>>) offsets(%dma_start3A_112 : memref<128xi32, #tpu.memory_space<vmem>>) semaphore(%run_scoped3A_109 : memref<!tpu.dma_semaphore, #tpu.memory_space<semaphore_mem>>) {add = true}
      %dma_wait3A_116 = arith.constant 0 : i32
      %dma_wait3A_117 = tpu.memref_slice %arg7[%run_scoped3A_87, %dma_wait3A_116] : memref<40x128xi32, #tpu.memory_space<vmem>> -> memref<1x128xi32, #tpu.memory_space<vmem>>
      %dma_wait3A_118 = tpu.memref_squeeze %dma_wait3A_117 : memref<1x128xi32, #tpu.memory_space<vmem>> -> memref<128xi32, #tpu.memory_space<vmem>>
      %dma_wait3A_119 = arith.constant 0 : i32
      %dma_wait3A_120 = arith.constant 0 : i32
      %dma_wait3A_121 = tpu.memref_slice %arg10[%dma_wait3A_119, %dma_wait3A_120] : memref<10112x128xf32, #tpu.memory_space<vmem_shared>> -> memref<10112x128xf32, #tpu.memory_space<vmem_shared>>
      tpu.wait_indirect_dma semaphore(%run_scoped3A_109 : memref<!tpu.dma_semaphore, #tpu.memory_space<semaphore_mem>>) src(%arg9 : memref<128x128xf32, #tpu.memory_space<vmem>>) dst(%dma_wait3A_121 : memref<10112x128xf32, #tpu.memory_space<vmem_shared>>)
      tpu.yield
    }) : () -> ()
    %barrier3A_88 = arith.constant 0 : index
    tpu.barrier barrier_id(%barrier3A_88)
    %add3A_89 = arith.constant 0 : i32
    %add3A_90 = arith.addi %mul3A_8, %add3A_89 : i32
    "tpu.region"() ({
      %run_scoped3A_109 = tpu.sem_alloc : memref<!tpu.dma_semaphore, #tpu.memory_space<semaphore_mem>>
      %dma_start3A_110 = arith.constant 0 : i32
      %dma_start3A_111 = arith.constant 0 : i32
      %dma_start3A_112 = tpu.memref_slice %arg8[%dma_start3A_110, %dma_start3A_111] : memref<128x128xf32, #tpu.memory_space<vmem>> -> memref<128x128xf32, #tpu.memory_space<vmem>>
      %dma_start3A_113 = arith.constant 0 : i32
      %dma_start3A_114 = tpu.memref_slice %arg10[%add3A_90, %dma_start3A_113] : memref<10112x128xf32, #tpu.memory_space<vmem_shared>> -> memref<128x128xf32, #tpu.memory_space<vmem_shared>>
      %dma_start3A_115 = arith.constant 0 : i32
      %dma_start3A_116 = arith.constant 0 : i32
      %dma_start3A_117 = tpu.memref_slice %arg8[%dma_start3A_115, %dma_start3A_116] : memref<128x128xf32, #tpu.memory_space<vmem>> -> memref<128x128xf32, #tpu.memory_space<vmem>>
      %dma_start3A_118 = arith.constant 0 : i32
      %dma_start3A_119 = tpu.memref_slice %arg10[%add3A_90, %dma_start3A_118] : memref<10112x128xf32, #tpu.memory_space<vmem_shared>> -> memref<128x128xf32, #tpu.memory_space<vmem_shared>>
      tpu.enqueue_dma source(%dma_start3A_119 : memref<128x128xf32, #tpu.memory_space<vmem_shared>>) target(%dma_start3A_117 : memref<128x128xf32, #tpu.memory_space<vmem>>) target_semaphore(%run_scoped3A_109 : memref<!tpu.dma_semaphore, #tpu.memory_space<semaphore_mem>>)
      %dma_wait3A_120 = arith.constant 0 : i32
      %dma_wait3A_121 = arith.constant 0 : i32
      %dma_wait3A_122 = tpu.memref_slice %arg8[%dma_wait3A_120, %dma_wait3A_121] : memref<128x128xf32, #tpu.memory_space<vmem>> -> memref<128x128xf32, #tpu.memory_space<vmem>>
      %dma_wait3A_123 = arith.constant 0 : i32
      %dma_wait3A_124 = tpu.memref_slice %arg10[%add3A_90, %dma_wait3A_123] : memref<10112x128xf32, #tpu.memory_space<vmem_shared>> -> memref<128x128xf32, #tpu.memory_space<vmem_shared>>
      %dma_wait3A_125 = arith.constant 0 : i32
      %dma_wait3A_126 = arith.constant 0 : i32
      %dma_wait3A_127 = tpu.memref_slice %arg8[%dma_wait3A_125, %dma_wait3A_126] : memref<128x128xf32, #tpu.memory_space<vmem>> -> memref<128x128xf32, #tpu.memory_space<vmem>>
      %dma_wait3A_128 = arith.constant 0 : i32
      %dma_wait3A_129 = tpu.memref_slice %arg10[%add3A_90, %dma_wait3A_128] : memref<10112x128xf32, #tpu.memory_space<vmem_shared>> -> memref<128x128xf32, #tpu.memory_space<vmem_shared>>
      tpu.wait_dma2 semaphore(%run_scoped3A_109 : memref<!tpu.dma_semaphore, #tpu.memory_space<semaphore_mem>>) src(%dma_wait3A_129 : memref<128x128xf32, #tpu.memory_space<vmem_shared>>) dst(%dma_wait3A_127 : memref<128x128xf32, #tpu.memory_space<vmem>>)
      tpu.yield
    }) : () -> ()
    %add3A_91 = arith.constant 0 : i32
    %add3A_92 = arith.addi %mul3A_8, %add3A_91 : i32
    "tpu.region"() ({
      %run_scoped3A_109 = tpu.sem_alloc : memref<!tpu.dma_semaphore, #tpu.memory_space<semaphore_mem>>
      %dma_start3A_110 = arith.constant 0 : i32
      %dma_start3A_111 = arith.constant 0 : i32
      %dma_start3A_112 = tpu.memref_slice %arg8[%dma_start3A_110, %dma_start3A_111] : memref<128x128xf32, #tpu.memory_space<vmem>> -> memref<128x128xf32, #tpu.memory_space<vmem>>
      %dma_start3A_113 = arith.constant 0 : i32
      %dma_start3A_114 = tpu.memref_slice %arg5[%arg0, %add3A_92, %dma_start3A_113] : memref<2x10112x128xf32, #tpu.memory_space<hbm>> -> memref<1x128x128xf32, #tpu.memory_space<hbm>>
      %dma_start3A_115 = tpu.memref_squeeze %dma_start3A_114 : memref<1x128x128xf32, #tpu.memory_space<hbm>> -> memref<128x128xf32, #tpu.memory_space<hbm>>
      %dma_start3A_116 = arith.constant 0 : i32
      %dma_start3A_117 = tpu.memref_slice %arg5[%arg0, %add3A_92, %dma_start3A_116] : memref<2x10112x128xf32, #tpu.memory_space<hbm>> -> memref<1x128x128xf32, #tpu.memory_space<hbm>>
      %dma_start3A_118 = tpu.memref_squeeze %dma_start3A_117 : memref<1x128x128xf32, #tpu.memory_space<hbm>> -> memref<128x128xf32, #tpu.memory_space<hbm>>
      %dma_start3A_119 = arith.constant 0 : i32
      %dma_start3A_120 = arith.constant 0 : i32
      %dma_start3A_121 = tpu.memref_slice %arg8[%dma_start3A_119, %dma_start3A_120] : memref<128x128xf32, #tpu.memory_space<vmem>> -> memref<128x128xf32, #tpu.memory_space<vmem>>
      tpu.enqueue_dma source(%dma_start3A_121 : memref<128x128xf32, #tpu.memory_space<vmem>>) target(%dma_start3A_118 : memref<128x128xf32, #tpu.memory_space<hbm>>) target_semaphore(%run_scoped3A_109 : memref<!tpu.dma_semaphore, #tpu.memory_space<semaphore_mem>>)
      %dma_wait3A_122 = arith.constant 0 : i32
      %dma_wait3A_123 = arith.constant 0 : i32
      %dma_wait3A_124 = tpu.memref_slice %arg8[%dma_wait3A_122, %dma_wait3A_123] : memref<128x128xf32, #tpu.memory_space<vmem>> -> memref<128x128xf32, #tpu.memory_space<vmem>>
      %dma_wait3A_125 = arith.constant 0 : i32
      %dma_wait3A_126 = tpu.memref_slice %arg5[%arg0, %add3A_92, %dma_wait3A_125] : memref<2x10112x128xf32, #tpu.memory_space<hbm>> -> memref<1x128x128xf32, #tpu.memory_space<hbm>>
      %dma_wait3A_127 = tpu.memref_squeeze %dma_wait3A_126 : memref<1x128x128xf32, #tpu.memory_space<hbm>> -> memref<128x128xf32, #tpu.memory_space<hbm>>
      %dma_wait3A_128 = arith.constant 0 : i32
      %dma_wait3A_129 = tpu.memref_slice %arg5[%arg0, %add3A_92, %dma_wait3A_128] : memref<2x10112x128xf32, #tpu.memory_space<hbm>> -> memref<1x128x128xf32, #tpu.memory_space<hbm>>
      %dma_wait3A_130 = tpu.memref_squeeze %dma_wait3A_129 : memref<1x128x128xf32, #tpu.memory_space<hbm>> -> memref<128x128xf32, #tpu.memory_space<hbm>>
      %dma_wait3A_131 = arith.constant 0 : i32
      %dma_wait3A_132 = arith.constant 0 : i32
      %dma_wait3A_133 = tpu.memref_slice %arg8[%dma_wait3A_131, %dma_wait3A_132] : memref<128x128xf32, #tpu.memory_space<vmem>> -> memref<128x128xf32, #tpu.memory_space<vmem>>
      tpu.wait_dma2 semaphore(%run_scoped3A_109 : memref<!tpu.dma_semaphore, #tpu.memory_space<semaphore_mem>>) src(%dma_wait3A_133 : memref<128x128xf32, #tpu.memory_space<vmem>>) dst(%dma_wait3A_130 : memref<128x128xf32, #tpu.memory_space<hbm>>)
      tpu.yield
    }) : () -> ()
    %add3A_93 = arith.constant 128 : i32
    %add3A_94 = arith.addi %mul3A_8, %add3A_93 : i32
    "tpu.region"() ({
      %run_scoped3A_109 = tpu.sem_alloc : memref<!tpu.dma_semaphore, #tpu.memory_space<semaphore_mem>>
      %dma_start3A_110 = arith.constant 0 : i32
      %dma_start3A_111 = arith.constant 0 : i32
      %dma_start3A_112 = tpu.memref_slice %arg9[%dma_start3A_110, %dma_start3A_111] : memref<128x128xf32, #tpu.memory_space<vmem>> -> memref<128x128xf32, #tpu.memory_space<vmem>>
      %dma_start3A_113 = arith.constant 0 : i32
      %dma_start3A_114 = tpu.memref_slice %arg10[%add3A_94, %dma_start3A_113] : memref<10112x128xf32, #tpu.memory_space<vmem_shared>> -> memref<128x128xf32, #tpu.memory_space<vmem_shared>>
      %dma_start3A_115 = arith.constant 0 : i32
      %dma_start3A_116 = arith.constant 0 : i32
      %dma_start3A_117 = tpu.memref_slice %arg9[%dma_start3A_115, %dma_start3A_116] : memref<128x128xf32, #tpu.memory_space<vmem>> -> memref<128x128xf32, #tpu.memory_space<vmem>>
      %dma_start3A_118 = arith.constant 0 : i32
      %dma_start3A_119 = tpu.memref_slice %arg10[%add3A_94, %dma_start3A_118] : memref<10112x128xf32, #tpu.memory_space<vmem_shared>> -> memref<128x128xf32, #tpu.memory_space<vmem_shared>>
      tpu.enqueue_dma source(%dma_start3A_119 : memref<128x128xf32, #tpu.memory_space<vmem_shared>>) target(%dma_start3A_117 : memref<128x128xf32, #tpu.memory_space<vmem>>) target_semaphore(%run_scoped3A_109 : memref<!tpu.dma_semaphore, #tpu.memory_space<semaphore_mem>>)
      %dma_wait3A_120 = arith.constant 0 : i32
      %dma_wait3A_121 = arith.constant 0 : i32
      %dma_wait3A_122 = tpu.memref_slice %arg9[%dma_wait3A_120, %dma_wait3A_121] : memref<128x128xf32, #tpu.memory_space<vmem>> -> memref<128x128xf32, #tpu.memory_space<vmem>>
      %dma_wait3A_123 = arith.constant 0 : i32
      %dma_wait3A_124 = tpu.memref_slice %arg10[%add3A_94, %dma_wait3A_123] : memref<10112x128xf32, #tpu.memory_space<vmem_shared>> -> memref<128x128xf32, #tpu.memory_space<vmem_shared>>
      %dma_wait3A_125 = arith.constant 0 : i32
      %dma_wait3A_126 = arith.constant 0 : i32
      %dma_wait3A_127 = tpu.memref_slice %arg9[%dma_wait3A_125, %dma_wait3A_126] : memref<128x128xf32, #tpu.memory_space<vmem>> -> memref<128x128xf32, #tpu.memory_space<vmem>>
      %dma_wait3A_128 = arith.constant 0 : i32
      %dma_wait3A_129 = tpu.memref_slice %arg10[%add3A_94, %dma_wait3A_128] : memref<10112x128xf32, #tpu.memory_space<vmem_shared>> -> memref<128x128xf32, #tpu.memory_space<vmem_shared>>
      tpu.wait_dma2 semaphore(%run_scoped3A_109 : memref<!tpu.dma_semaphore, #tpu.memory_space<semaphore_mem>>) src(%dma_wait3A_129 : memref<128x128xf32, #tpu.memory_space<vmem_shared>>) dst(%dma_wait3A_127 : memref<128x128xf32, #tpu.memory_space<vmem>>)
      tpu.yield
    }) : () -> ()
    %add3A_95 = arith.constant 128 : i32
    %add3A_96 = arith.addi %mul3A_8, %add3A_95 : i32
    "tpu.region"() ({
      %run_scoped3A_109 = tpu.sem_alloc : memref<!tpu.dma_semaphore, #tpu.memory_space<semaphore_mem>>
      %dma_start3A_110 = arith.constant 0 : i32
      %dma_start3A_111 = arith.constant 0 : i32
      %dma_start3A_112 = tpu.memref_slice %arg9[%dma_start3A_110, %dma_start3A_111] : memref<128x128xf32, #tpu.memory_space<vmem>> -> memref<128x128xf32, #tpu.memory_space<vmem>>
      %dma_start3A_113 = arith.constant 0 : i32
      %dma_start3A_114 = tpu.memref_slice %arg5[%arg0, %add3A_96, %dma_start3A_113] : memref<2x10112x128xf32, #tpu.memory_space<hbm>> -> memref<1x128x128xf32, #tpu.memory_space<hbm>>
      %dma_start3A_115 = tpu.memref_squeeze %dma_start3A_114 : memref<1x128x128xf32, #tpu.memory_space<hbm>> -> memref<128x128xf32, #tpu.memory_space<hbm>>
      %dma_start3A_116 = arith.constant 0 : i32
      %dma_start3A_117 = tpu.memref_slice %arg5[%arg0, %add3A_96, %dma_start3A_116] : memref<2x10112x128xf32, #tpu.memory_space<hbm>> -> memref<1x128x128xf32, #tpu.memory_space<hbm>>
      %dma_start3A_118 = tpu.memref_squeeze %dma_start3A_117 : memref<1x128x128xf32, #tpu.memory_space<hbm>> -> memref<128x128xf32, #tpu.memory_space<hbm>>
      %dma_start3A_119 = arith.constant 0 : i32
      %dma_start3A_120 = arith.constant 0 : i32
      %dma_start3A_121 = tpu.memref_slice %arg9[%dma_start3A_119, %dma_start3A_120] : memref<128x128xf32, #tpu.memory_space<vmem>> -> memref<128x128xf32, #tpu.memory_space<vmem>>
      tpu.enqueue_dma source(%dma_start3A_121 : memref<128x128xf32, #tpu.memory_space<vmem>>) target(%dma_start3A_118 : memref<128x128xf32, #tpu.memory_space<hbm>>) target_semaphore(%run_scoped3A_109 : memref<!tpu.dma_semaphore, #tpu.memory_space<semaphore_mem>>)
      %dma_wait3A_122 = arith.constant 0 : i32
      %dma_wait3A_123 = arith.constant 0 : i32
      %dma_wait3A_124 = tpu.memref_slice %arg9[%dma_wait3A_122, %dma_wait3A_123] : memref<128x128xf32, #tpu.memory_space<vmem>> -> memref<128x128xf32, #tpu.memory_space<vmem>>
      %dma_wait3A_125 = arith.constant 0 : i32
      %dma_wait3A_126 = tpu.memref_slice %arg5[%arg0, %add3A_96, %dma_wait3A_125] : memref<2x10112x128xf32, #tpu.memory_space<hbm>> -> memref<1x128x128xf32, #tpu.memory_space<hbm>>
      %dma_wait3A_127 = tpu.memref_squeeze %dma_wait3A_126 : memref<1x128x128xf32, #tpu.memory_space<hbm>> -> memref<128x128xf32, #tpu.memory_space<hbm>>
      %dma_wait3A_128 = arith.constant 0 : i32
      %dma_wait3A_129 = tpu.memref_slice %arg5[%arg0, %add3A_96, %dma_wait3A_128] : memref<2x10112x128xf32, #tpu.memory_space<hbm>> -> memref<1x128x128xf32, #tpu.memory_space<hbm>>
      %dma_wait3A_130 = tpu.memref_squeeze %dma_wait3A_129 : memref<1x128x128xf32, #tpu.memory_space<hbm>> -> memref<128x128xf32, #tpu.memory_space<hbm>>
      %dma_wait3A_131 = arith.constant 0 : i32
      %dma_wait3A_132 = arith.constant 0 : i32
      %dma_wait3A_133 = tpu.memref_slice %arg9[%dma_wait3A_131, %dma_wait3A_132] : memref<128x128xf32, #tpu.memory_space<vmem>> -> memref<128x128xf32, #tpu.memory_space<vmem>>
      tpu.wait_dma2 semaphore(%run_scoped3A_109 : memref<!tpu.dma_semaphore, #tpu.memory_space<semaphore_mem>>) src(%dma_wait3A_133 : memref<128x128xf32, #tpu.memory_space<vmem>>) dst(%dma_wait3A_130 : memref<128x128xf32, #tpu.memory_space<hbm>>)
      tpu.yield
    }) : () -> ()
    %add3A_97 = arith.constant 256 : i32
    %add3A_98 = arith.addi %mul3A_8, %add3A_97 : i32
    "tpu.region"() ({
      %run_scoped3A_109 = tpu.sem_alloc : memref<!tpu.dma_semaphore, #tpu.memory_space<semaphore_mem>>
      %dma_start3A_110 = arith.constant 0 : i32
      %dma_start3A_111 = arith.constant 0 : i32
      %dma_start3A_112 = tpu.memref_slice %arg8[%dma_start3A_110, %dma_start3A_111] : memref<128x128xf32, #tpu.memory_space<vmem>> -> memref<128x128xf32, #tpu.memory_space<vmem>>
      %dma_start3A_113 = arith.constant 0 : i32
      %dma_start3A_114 = tpu.memref_slice %arg10[%add3A_98, %dma_start3A_113] : memref<10112x128xf32, #tpu.memory_space<vmem_shared>> -> memref<128x128xf32, #tpu.memory_space<vmem_shared>>
      %dma_start3A_115 = arith.constant 0 : i32
      %dma_start3A_116 = arith.constant 0 : i32
      %dma_start3A_117 = tpu.memref_slice %arg8[%dma_start3A_115, %dma_start3A_116] : memref<128x128xf32, #tpu.memory_space<vmem>> -> memref<128x128xf32, #tpu.memory_space<vmem>>
      %dma_start3A_118 = arith.constant 0 : i32
      %dma_start3A_119 = tpu.memref_slice %arg10[%add3A_98, %dma_start3A_118] : memref<10112x128xf32, #tpu.memory_space<vmem_shared>> -> memref<128x128xf32, #tpu.memory_space<vmem_shared>>
      tpu.enqueue_dma source(%dma_start3A_119 : memref<128x128xf32, #tpu.memory_space<vmem_shared>>) target(%dma_start3A_117 : memref<128x128xf32, #tpu.memory_space<vmem>>) target_semaphore(%run_scoped3A_109 : memref<!tpu.dma_semaphore, #tpu.memory_space<semaphore_mem>>)
      %dma_wait3A_120 = arith.constant 0 : i32
      %dma_wait3A_121 = arith.constant 0 : i32
      %dma_wait3A_122 = tpu.memref_slice %arg8[%dma_wait3A_120, %dma_wait3A_121] : memref<128x128xf32, #tpu.memory_space<vmem>> -> memref<128x128xf32, #tpu.memory_space<vmem>>
      %dma_wait3A_123 = arith.constant 0 : i32
      %dma_wait3A_124 = tpu.memref_slice %arg10[%add3A_98, %dma_wait3A_123] : memref<10112x128xf32, #tpu.memory_space<vmem_shared>> -> memref<128x128xf32, #tpu.memory_space<vmem_shared>>
      %dma_wait3A_125 = arith.constant 0 : i32
      %dma_wait3A_126 = arith.constant 0 : i32
      %dma_wait3A_127 = tpu.memref_slice %arg8[%dma_wait3A_125, %dma_wait3A_126] : memref<128x128xf32, #tpu.memory_space<vmem>> -> memref<128x128xf32, #tpu.memory_space<vmem>>
      %dma_wait3A_128 = arith.constant 0 : i32
      %dma_wait3A_129 = tpu.memref_slice %arg10[%add3A_98, %dma_wait3A_128] : memref<10112x128xf32, #tpu.memory_space<vmem_shared>> -> memref<128x128xf32, #tpu.memory_space<vmem_shared>>
      tpu.wait_dma2 semaphore(%run_scoped3A_109 : memref<!tpu.dma_semaphore, #tpu.memory_space<semaphore_mem>>) src(%dma_wait3A_129 : memref<128x128xf32, #tpu.memory_space<vmem_shared>>) dst(%dma_wait3A_127 : memref<128x128xf32, #tpu.memory_space<vmem>>)
      tpu.yield
    }) : () -> ()
    %add3A_99 = arith.constant 256 : i32
    %add3A_100 = arith.addi %mul3A_8, %add3A_99 : i32
    "tpu.region"() ({
      %run_scoped3A_109 = tpu.sem_alloc : memref<!tpu.dma_semaphore, #tpu.memory_space<semaphore_mem>>
      %dma_start3A_110 = arith.constant 0 : i32
      %dma_start3A_111 = arith.constant 0 : i32
      %dma_start3A_112 = tpu.memref_slice %arg8[%dma_start3A_110, %dma_start3A_111] : memref<128x128xf32, #tpu.memory_space<vmem>> -> memref<128x128xf32, #tpu.memory_space<vmem>>
      %dma_start3A_113 = arith.constant 0 : i32
      %dma_start3A_114 = tpu.memref_slice %arg5[%arg0, %add3A_100, %dma_start3A_113] : memref<2x10112x128xf32, #tpu.memory_space<hbm>> -> memref<1x128x128xf32, #tpu.memory_space<hbm>>
      %dma_start3A_115 = tpu.memref_squeeze %dma_start3A_114 : memref<1x128x128xf32, #tpu.memory_space<hbm>> -> memref<128x128xf32, #tpu.memory_space<hbm>>
      %dma_start3A_116 = arith.constant 0 : i32
      %dma_start3A_117 = tpu.memref_slice %arg5[%arg0, %add3A_100, %dma_start3A_116] : memref<2x10112x128xf32, #tpu.memory_space<hbm>> -> memref<1x128x128xf32, #tpu.memory_space<hbm>>
      %dma_start3A_118 = tpu.memref_squeeze %dma_start3A_117 : memref<1x128x128xf32, #tpu.memory_space<hbm>> -> memref<128x128xf32, #tpu.memory_space<hbm>>
      %dma_start3A_119 = arith.constant 0 : i32
      %dma_start3A_120 = arith.constant 0 : i32
      %dma_start3A_121 = tpu.memref_slice %arg8[%dma_start3A_119, %dma_start3A_120] : memref<128x128xf32, #tpu.memory_space<vmem>> -> memref<128x128xf32, #tpu.memory_space<vmem>>
      tpu.enqueue_dma source(%dma_start3A_121 : memref<128x128xf32, #tpu.memory_space<vmem>>) target(%dma_start3A_118 : memref<128x128xf32, #tpu.memory_space<hbm>>) target_semaphore(%run_scoped3A_109 : memref<!tpu.dma_semaphore, #tpu.memory_space<semaphore_mem>>)
      %dma_wait3A_122 = arith.constant 0 : i32
      %dma_wait3A_123 = arith.constant 0 : i32
      %dma_wait3A_124 = tpu.memref_slice %arg8[%dma_wait3A_122, %dma_wait3A_123] : memref<128x128xf32, #tpu.memory_space<vmem>> -> memref<128x128xf32, #tpu.memory_space<vmem>>
      %dma_wait3A_125 = arith.constant 0 : i32
      %dma_wait3A_126 = tpu.memref_slice %arg5[%arg0, %add3A_100, %dma_wait3A_125] : memref<2x10112x128xf32, #tpu.memory_space<hbm>> -> memref<1x128x128xf32, #tpu.memory_space<hbm>>
      %dma_wait3A_127 = tpu.memref_squeeze %dma_wait3A_126 : memref<1x128x128xf32, #tpu.memory_space<hbm>> -> memref<128x128xf32, #tpu.memory_space<hbm>>
      %dma_wait3A_128 = arith.constant 0 : i32
      %dma_wait3A_129 = tpu.memref_slice %arg5[%arg0, %add3A_100, %dma_wait3A_128] : memref<2x10112x128xf32, #tpu.memory_space<hbm>> -> memref<1x128x128xf32, #tpu.memory_space<hbm>>
      %dma_wait3A_130 = tpu.memref_squeeze %dma_wait3A_129 : memref<1x128x128xf32, #tpu.memory_space<hbm>> -> memref<128x128xf32, #tpu.memory_space<hbm>>
      %dma_wait3A_131 = arith.constant 0 : i32
      %dma_wait3A_132 = arith.constant 0 : i32
      %dma_wait3A_133 = tpu.memref_slice %arg8[%dma_wait3A_131, %dma_wait3A_132] : memref<128x128xf32, #tpu.memory_space<vmem>> -> memref<128x128xf32, #tpu.memory_space<vmem>>
      tpu.wait_dma2 semaphore(%run_scoped3A_109 : memref<!tpu.dma_semaphore, #tpu.memory_space<semaphore_mem>>) src(%dma_wait3A_133 : memref<128x128xf32, #tpu.memory_space<vmem>>) dst(%dma_wait3A_130 : memref<128x128xf32, #tpu.memory_space<hbm>>)
      tpu.yield
    }) : () -> ()
    %add3A_101 = arith.constant 384 : i32
    %add3A_102 = arith.addi %mul3A_8, %add3A_101 : i32
    "tpu.region"() ({
      %run_scoped3A_109 = tpu.sem_alloc : memref<!tpu.dma_semaphore, #tpu.memory_space<semaphore_mem>>
      %dma_start3A_110 = arith.constant 0 : i32
      %dma_start3A_111 = arith.constant 0 : i32
      %dma_start3A_112 = tpu.memref_slice %arg9[%dma_start3A_110, %dma_start3A_111] : memref<128x128xf32, #tpu.memory_space<vmem>> -> memref<128x128xf32, #tpu.memory_space<vmem>>
      %dma_start3A_113 = arith.constant 0 : i32
      %dma_start3A_114 = tpu.memref_slice %arg10[%add3A_102, %dma_start3A_113] : memref<10112x128xf32, #tpu.memory_space<vmem_shared>> -> memref<128x128xf32, #tpu.memory_space<vmem_shared>>
      %dma_start3A_115 = arith.constant 0 : i32
      %dma_start3A_116 = arith.constant 0 : i32
      %dma_start3A_117 = tpu.memref_slice %arg9[%dma_start3A_115, %dma_start3A_116] : memref<128x128xf32, #tpu.memory_space<vmem>> -> memref<128x128xf32, #tpu.memory_space<vmem>>
      %dma_start3A_118 = arith.constant 0 : i32
      %dma_start3A_119 = tpu.memref_slice %arg10[%add3A_102, %dma_start3A_118] : memref<10112x128xf32, #tpu.memory_space<vmem_shared>> -> memref<128x128xf32, #tpu.memory_space<vmem_shared>>
      tpu.enqueue_dma source(%dma_start3A_119 : memref<128x128xf32, #tpu.memory_space<vmem_shared>>) target(%dma_start3A_117 : memref<128x128xf32, #tpu.memory_space<vmem>>) target_semaphore(%run_scoped3A_109 : memref<!tpu.dma_semaphore, #tpu.memory_space<semaphore_mem>>)
      %dma_wait3A_120 = arith.constant 0 : i32
      %dma_wait3A_121 = arith.constant 0 : i32
      %dma_wait3A_122 = tpu.memref_slice %arg9[%dma_wait3A_120, %dma_wait3A_121] : memref<128x128xf32, #tpu.memory_space<vmem>> -> memref<128x128xf32, #tpu.memory_space<vmem>>
      %dma_wait3A_123 = arith.constant 0 : i32
      %dma_wait3A_124 = tpu.memref_slice %arg10[%add3A_102, %dma_wait3A_123] : memref<10112x128xf32, #tpu.memory_space<vmem_shared>> -> memref<128x128xf32, #tpu.memory_space<vmem_shared>>
      %dma_wait3A_125 = arith.constant 0 : i32
      %dma_wait3A_126 = arith.constant 0 : i32
      %dma_wait3A_127 = tpu.memref_slice %arg9[%dma_wait3A_125, %dma_wait3A_126] : memref<128x128xf32, #tpu.memory_space<vmem>> -> memref<128x128xf32, #tpu.memory_space<vmem>>
      %dma_wait3A_128 = arith.constant 0 : i32
      %dma_wait3A_129 = tpu.memref_slice %arg10[%add3A_102, %dma_wait3A_128] : memref<10112x128xf32, #tpu.memory_space<vmem_shared>> -> memref<128x128xf32, #tpu.memory_space<vmem_shared>>
      tpu.wait_dma2 semaphore(%run_scoped3A_109 : memref<!tpu.dma_semaphore, #tpu.memory_space<semaphore_mem>>) src(%dma_wait3A_129 : memref<128x128xf32, #tpu.memory_space<vmem_shared>>) dst(%dma_wait3A_127 : memref<128x128xf32, #tpu.memory_space<vmem>>)
      tpu.yield
    }) : () -> ()
    %add3A_103 = arith.constant 384 : i32
    %add3A_104 = arith.addi %mul3A_8, %add3A_103 : i32
    "tpu.region"() ({
      %run_scoped3A_109 = tpu.sem_alloc : memref<!tpu.dma_semaphore, #tpu.memory_space<semaphore_mem>>
      %dma_start3A_110 = arith.constant 0 : i32
      %dma_start3A_111 = arith.constant 0 : i32
      %dma_start3A_112 = tpu.memref_slice %arg9[%dma_start3A_110, %dma_start3A_111] : memref<128x128xf32, #tpu.memory_space<vmem>> -> memref<128x128xf32, #tpu.memory_space<vmem>>
      %dma_start3A_113 = arith.constant 0 : i32
      %dma_start3A_114 = tpu.memref_slice %arg5[%arg0, %add3A_104, %dma_start3A_113] : memref<2x10112x128xf32, #tpu.memory_space<hbm>> -> memref<1x128x128xf32, #tpu.memory_space<hbm>>
      %dma_start3A_115 = tpu.memref_squeeze %dma_start3A_114 : memref<1x128x128xf32, #tpu.memory_space<hbm>> -> memref<128x128xf32, #tpu.memory_space<hbm>>
      %dma_start3A_116 = arith.constant 0 : i32
      %dma_start3A_117 = tpu.memref_slice %arg5[%arg0, %add3A_104, %dma_start3A_116] : memref<2x10112x128xf32, #tpu.memory_space<hbm>> -> memref<1x128x128xf32, #tpu.memory_space<hbm>>
      %dma_start3A_118 = tpu.memref_squeeze %dma_start3A_117 : memref<1x128x128xf32, #tpu.memory_space<hbm>> -> memref<128x128xf32, #tpu.memory_space<hbm>>
      %dma_start3A_119 = arith.constant 0 : i32
      %dma_start3A_120 = arith.constant 0 : i32
      %dma_start3A_121 = tpu.memref_slice %arg9[%dma_start3A_119, %dma_start3A_120] : memref<128x128xf32, #tpu.memory_space<vmem>> -> memref<128x128xf32, #tpu.memory_space<vmem>>
      tpu.enqueue_dma source(%dma_start3A_121 : memref<128x128xf32, #tpu.memory_space<vmem>>) target(%dma_start3A_118 : memref<128x128xf32, #tpu.memory_space<hbm>>) target_semaphore(%run_scoped3A_109 : memref<!tpu.dma_semaphore, #tpu.memory_space<semaphore_mem>>)
      %dma_wait3A_122 = arith.constant 0 : i32
      %dma_wait3A_123 = arith.constant 0 : i32
      %dma_wait3A_124 = tpu.memref_slice %arg9[%dma_wait3A_122, %dma_wait3A_123] : memref<128x128xf32, #tpu.memory_space<vmem>> -> memref<128x128xf32, #tpu.memory_space<vmem>>
      %dma_wait3A_125 = arith.constant 0 : i32
      %dma_wait3A_126 = tpu.memref_slice %arg5[%arg0, %add3A_104, %dma_wait3A_125] : memref<2x10112x128xf32, #tpu.memory_space<hbm>> -> memref<1x128x128xf32, #tpu.memory_space<hbm>>
      %dma_wait3A_127 = tpu.memref_squeeze %dma_wait3A_126 : memref<1x128x128xf32, #tpu.memory_space<hbm>> -> memref<128x128xf32, #tpu.memory_space<hbm>>
      %dma_wait3A_128 = arith.constant 0 : i32
      %dma_wait3A_129 = tpu.memref_slice %arg5[%arg0, %add3A_104, %dma_wait3A_128] : memref<2x10112x128xf32, #tpu.memory_space<hbm>> -> memref<1x128x128xf32, #tpu.memory_space<hbm>>
      %dma_wait3A_130 = tpu.memref_squeeze %dma_wait3A_129 : memref<1x128x128xf32, #tpu.memory_space<hbm>> -> memref<128x128xf32, #tpu.memory_space<hbm>>
      %dma_wait3A_131 = arith.constant 0 : i32
      %dma_wait3A_132 = arith.constant 0 : i32
      %dma_wait3A_133 = tpu.memref_slice %arg9[%dma_wait3A_131, %dma_wait3A_132] : memref<128x128xf32, #tpu.memory_space<vmem>> -> memref<128x128xf32, #tpu.memory_space<vmem>>
      tpu.wait_dma2 semaphore(%run_scoped3A_109 : memref<!tpu.dma_semaphore, #tpu.memory_space<semaphore_mem>>) src(%dma_wait3A_133 : memref<128x128xf32, #tpu.memory_space<vmem>>) dst(%dma_wait3A_130 : memref<128x128xf32, #tpu.memory_space<hbm>>)
      tpu.yield
    }) : () -> ()
    %add3A_105 = arith.constant 512 : i32
    %add3A_106 = arith.addi %mul3A_8, %add3A_105 : i32
    "tpu.region"() ({
      %run_scoped3A_109 = tpu.sem_alloc : memref<!tpu.dma_semaphore, #tpu.memory_space<semaphore_mem>>
      %dma_start3A_110 = arith.constant 0 : i32
      %dma_start3A_111 = arith.constant 0 : i32
      %dma_start3A_112 = tpu.memref_slice %arg8[%dma_start3A_110, %dma_start3A_111] : memref<128x128xf32, #tpu.memory_space<vmem>> -> memref<120x128xf32, #tpu.memory_space<vmem>>
      %dma_start3A_113 = arith.constant 0 : i32
      %dma_start3A_114 = tpu.memref_slice %arg10[%add3A_106, %dma_start3A_113] : memref<10112x128xf32, #tpu.memory_space<vmem_shared>> -> memref<120x128xf32, #tpu.memory_space<vmem_shared>>
      %dma_start3A_115 = arith.constant 0 : i32
      %dma_start3A_116 = arith.constant 0 : i32
      %dma_start3A_117 = tpu.memref_slice %arg8[%dma_start3A_115, %dma_start3A_116] : memref<128x128xf32, #tpu.memory_space<vmem>> -> memref<120x128xf32, #tpu.memory_space<vmem>>
      %dma_start3A_118 = arith.constant 0 : i32
      %dma_start3A_119 = tpu.memref_slice %arg10[%add3A_106, %dma_start3A_118] : memref<10112x128xf32, #tpu.memory_space<vmem_shared>> -> memref<120x128xf32, #tpu.memory_space<vmem_shared>>
      tpu.enqueue_dma source(%dma_start3A_119 : memref<120x128xf32, #tpu.memory_space<vmem_shared>>) target(%dma_start3A_117 : memref<120x128xf32, #tpu.memory_space<vmem>>) target_semaphore(%run_scoped3A_109 : memref<!tpu.dma_semaphore, #tpu.memory_space<semaphore_mem>>)
      %dma_wait3A_120 = arith.constant 0 : i32
      %dma_wait3A_121 = arith.constant 0 : i32
      %dma_wait3A_122 = tpu.memref_slice %arg8[%dma_wait3A_120, %dma_wait3A_121] : memref<128x128xf32, #tpu.memory_space<vmem>> -> memref<120x128xf32, #tpu.memory_space<vmem>>
      %dma_wait3A_123 = arith.constant 0 : i32
      %dma_wait3A_124 = tpu.memref_slice %arg10[%add3A_106, %dma_wait3A_123] : memref<10112x128xf32, #tpu.memory_space<vmem_shared>> -> memref<120x128xf32, #tpu.memory_space<vmem_shared>>
      %dma_wait3A_125 = arith.constant 0 : i32
      %dma_wait3A_126 = arith.constant 0 : i32
      %dma_wait3A_127 = tpu.memref_slice %arg8[%dma_wait3A_125, %dma_wait3A_126] : memref<128x128xf32, #tpu.memory_space<vmem>> -> memref<120x128xf32, #tpu.memory_space<vmem>>
      %dma_wait3A_128 = arith.constant 0 : i32
      %dma_wait3A_129 = tpu.memref_slice %arg10[%add3A_106, %dma_wait3A_128] : memref<10112x128xf32, #tpu.memory_space<vmem_shared>> -> memref<120x128xf32, #tpu.memory_space<vmem_shared>>
      tpu.wait_dma2 semaphore(%run_scoped3A_109 : memref<!tpu.dma_semaphore, #tpu.memory_space<semaphore_mem>>) src(%dma_wait3A_129 : memref<120x128xf32, #tpu.memory_space<vmem_shared>>) dst(%dma_wait3A_127 : memref<120x128xf32, #tpu.memory_space<vmem>>)
      tpu.yield
    }) : () -> ()
    %add3A_107 = arith.constant 512 : i32
    %add3A_108 = arith.addi %mul3A_8, %add3A_107 : i32
    "tpu.region"() ({
      %run_scoped3A_109 = tpu.sem_alloc : memref<!tpu.dma_semaphore, #tpu.memory_space<semaphore_mem>>
      %dma_start3A_110 = arith.constant 0 : i32
      %dma_start3A_111 = arith.constant 0 : i32
      %dma_start3A_112 = tpu.memref_slice %arg8[%dma_start3A_110, %dma_start3A_111] : memref<128x128xf32, #tpu.memory_space<vmem>> -> memref<120x128xf32, #tpu.memory_space<vmem>>
      %dma_start3A_113 = arith.constant 0 : i32
      %dma_start3A_114 = tpu.memref_slice %arg5[%arg0, %add3A_108, %dma_start3A_113] : memref<2x10112x128xf32, #tpu.memory_space<hbm>> -> memref<1x120x128xf32, #tpu.memory_space<hbm>>
      %dma_start3A_115 = tpu.memref_squeeze %dma_start3A_114 : memref<1x120x128xf32, #tpu.memory_space<hbm>> -> memref<120x128xf32, #tpu.memory_space<hbm>>
      %dma_start3A_116 = arith.constant 0 : i32
      %dma_start3A_117 = tpu.memref_slice %arg5[%arg0, %add3A_108, %dma_start3A_116] : memref<2x10112x128xf32, #tpu.memory_space<hbm>> -> memref<1x120x128xf32, #tpu.memory_space<hbm>>
      %dma_start3A_118 = tpu.memref_squeeze %dma_start3A_117 : memref<1x120x128xf32, #tpu.memory_space<hbm>> -> memref<120x128xf32, #tpu.memory_space<hbm>>
      %dma_start3A_119 = arith.constant 0 : i32
      %dma_start3A_120 = arith.constant 0 : i32
      %dma_start3A_121 = tpu.memref_slice %arg8[%dma_start3A_119, %dma_start3A_120] : memref<128x128xf32, #tpu.memory_space<vmem>> -> memref<120x128xf32, #tpu.memory_space<vmem>>
      tpu.enqueue_dma source(%dma_start3A_121 : memref<120x128xf32, #tpu.memory_space<vmem>>) target(%dma_start3A_118 : memref<120x128xf32, #tpu.memory_space<hbm>>) target_semaphore(%run_scoped3A_109 : memref<!tpu.dma_semaphore, #tpu.memory_space<semaphore_mem>>)
      %dma_wait3A_122 = arith.constant 0 : i32
      %dma_wait3A_123 = arith.constant 0 : i32
      %dma_wait3A_124 = tpu.memref_slice %arg8[%dma_wait3A_122, %dma_wait3A_123] : memref<128x128xf32, #tpu.memory_space<vmem>> -> memref<120x128xf32, #tpu.memory_space<vmem>>
      %dma_wait3A_125 = arith.constant 0 : i32
      %dma_wait3A_126 = tpu.memref_slice %arg5[%arg0, %add3A_108, %dma_wait3A_125] : memref<2x10112x128xf32, #tpu.memory_space<hbm>> -> memref<1x120x128xf32, #tpu.memory_space<hbm>>
      %dma_wait3A_127 = tpu.memref_squeeze %dma_wait3A_126 : memref<1x120x128xf32, #tpu.memory_space<hbm>> -> memref<120x128xf32, #tpu.memory_space<hbm>>
      %dma_wait3A_128 = arith.constant 0 : i32
      %dma_wait3A_129 = tpu.memref_slice %arg5[%arg0, %add3A_108, %dma_wait3A_128] : memref<2x10112x128xf32, #tpu.memory_space<hbm>> -> memref<1x120x128xf32, #tpu.memory_space<hbm>>
      %dma_wait3A_130 = tpu.memref_squeeze %dma_wait3A_129 : memref<1x120x128xf32, #tpu.memory_space<hbm>> -> memref<120x128xf32, #tpu.memory_space<hbm>>
      %dma_wait3A_131 = arith.constant 0 : i32
      %dma_wait3A_132 = arith.constant 0 : i32
      %dma_wait3A_133 = tpu.memref_slice %arg8[%dma_wait3A_131, %dma_wait3A_132] : memref<128x128xf32, #tpu.memory_space<vmem>> -> memref<120x128xf32, #tpu.memory_space<vmem>>
      tpu.wait_dma2 semaphore(%run_scoped3A_109 : memref<!tpu.dma_semaphore, #tpu.memory_space<semaphore_mem>>) src(%dma_wait3A_133 : memref<120x128xf32, #tpu.memory_space<vmem>>) dst(%dma_wait3A_130 : memref<120x128xf32, #tpu.memory_space<hbm>>)
      tpu.yield
    }) : () -> ()
    return
  }
}

module attributes {stable_mosaic.version = 14 : i64} {
  func.func @_rel_transform_body(%arg0: i32, %arg1: i32, %arg2: memref<2048x128xf32, #tpu.memory_space<vmem>>, %arg3: memref<1x128x128xf32, #tpu.memory_space<vmem>>, %arg4: memref<2048x128xf32, #tpu.memory_space<vmem>>) attributes {dimension_semantics = [#tpu.dimension_semantics<arbitrary>, #tpu.dimension_semantics<arbitrary>], iteration_bounds = array<i64: 5, 8>, scalar_prefetch = 0 : i64, scratch_operands = 0 : i64, tpu.core_type = #tpu.core_type<tc>, window_params = [{transform_indices = @transform_0, window_bounds = array<i64: 2048, 128>}, {transform_indices = @transform_1, window_bounds = array<i64: 1, 128, 128>}, {transform_indices = @transform_2, window_bounds = array<i64: 2048, 128>}]} {
    %get3A = arith.constant 0 : index
    %get3A_0 = arith.constant 0 : index
    %get3A_1 = vector.load %arg2[%get3A, %get3A_0] : memref<2048x128xf32, #tpu.memory_space<vmem>>, vector<2048x128xf32>
    %get3A_2 = arith.constant 0 : index
    %get3A_3 = arith.constant 0 : index
    %get3A_4 = arith.constant 0 : index
    %get3A_5 = vector.load %arg3[%get3A_2, %get3A_3, %get3A_4] : memref<1x128x128xf32, #tpu.memory_space<vmem>>, vector<1x128x128xf32>
    %get3A_6 = vector.shape_cast %get3A_5 : vector<1x128x128xf32> to vector<128x128xf32>
    %dot_general3A = arith.constant dense<0.000000e+00> : vector<2048x128xf32>
    %dot_general3A_7 = tpu.matmul %get3A_1, %get3A_6, %dot_general3A {dimension_numbers = #tpu.dot_dimension_numbers<[1], [0], [0], [1], [0, 0, 1, 1], [], []>, transpose_lhs_hint = false} : vector<2048x128xf32>, vector<128x128xf32>, vector<2048x128xf32> -> vector<2048x128xf32>
    %swap3A = arith.constant 0 : index
    %swap3A_8 = arith.constant 0 : index
    %swap3A_9 = vector.load %arg4[%swap3A, %swap3A_8] : memref<2048x128xf32, #tpu.memory_space<vmem>>, vector<2048x128xf32>
    tpu.vector_store %arg4[%swap3A, %swap3A_8], %dot_general3A_7 {strides = array<i32>} : memref<2048x128xf32, #tpu.memory_space<vmem>>, vector<2048x128xf32>,
    return
  }
  func.func @transform_0(%arg0: i32, %arg1: i32) -> (i32, i32) {
    %c0_i32 = arith.constant 0 : i32
    %c0_i32_0 = arith.constant 0 : i32
    return %arg0, %c0_i32 : i32, i32
  }
  func.func @transform_1(%arg0: i32, %arg1: i32) -> (i32, i32, i32) {
    %c0_i32 = arith.constant 0 : i32
    %c0_i32_0 = arith.constant 0 : i32
    %c0_i32_1 = arith.constant 0 : i32
    return %arg1, %c0_i32, %c0_i32_0 : i32, i32, i32
  }
  func.func @transform_2(%arg0: i32, %arg1: i32) -> (i32, i32) {
    %mul3A = arith.constant 5 : i32
    %mul3A_0 = arith.muli %arg1, %mul3A : i32
    %add3A = arith.addi %mul3A_0, %arg0 : i32
    %c0_i32 = arith.constant 0 : i32
    %c0_i32_1 = arith.constant 0 : i32
    return %add3A, %c0_i32 : i32, i32
  }
}

module attributes {stable_mosaic.version = 14 : i64} {
  func.func @_combine_body(%arg0: i32, %arg1: memref<2x2000x128xf32, #tpu.memory_space<vmem>>, %arg2: memref<2000x128xf32, #tpu.memory_space<vmem>>, %arg3: memref<128x128xf32, #tpu.memory_space<vmem>>, %arg4: memref<1x128xf32, #tpu.memory_space<vmem>>, %arg5: memref<2000x128xf32, #tpu.memory_space<vmem>>) attributes {dimension_semantics = [#tpu.dimension_semantics<arbitrary>], iteration_bounds = array<i64: 5>, scalar_prefetch = 0 : i64, scratch_operands = 0 : i64, tpu.core_type = #tpu.core_type<tc>, window_params = [{transform_indices = @transform_0, window_bounds = array<i64: 2, 2000, 128>}, {transform_indices = @transform_1, window_bounds = array<i64: 2000, 128>}, {pipeline_mode = #tpu.pipeline_mode<synchronous>, transform_indices = @transform_2, window_bounds = array<i64: 128, 128>}, {pipeline_mode = #tpu.pipeline_mode<synchronous>, transform_indices = @transform_3, window_bounds = array<i64: 1, 128>}, {transform_indices = @transform_4, window_bounds = array<i64: 2000, 128>}]} {
    %get3A = arith.constant 0 : index
    %get3A_0 = arith.constant 0 : index
    %get3A_1 = arith.constant 0 : index
    %get3A_2 = vector.load %arg1[%get3A, %get3A_0, %get3A_1] : memref<2x2000x128xf32, #tpu.memory_space<vmem>>, vector<1x2000x128xf32>
    %get3A_3 = vector.shape_cast %get3A_2 : vector<1x2000x128xf32> to vector<2000x128xf32>
    %get3A_4 = arith.constant 1 : index
    %get3A_5 = arith.constant 0 : index
    %get3A_6 = arith.constant 0 : index
    %get3A_7 = vector.load %arg1[%get3A_4, %get3A_5, %get3A_6] : memref<2x2000x128xf32, #tpu.memory_space<vmem>>, vector<1x2000x128xf32>
    %get3A_8 = vector.shape_cast %get3A_7 : vector<1x2000x128xf32> to vector<2000x128xf32>
    %add3A = arith.addf %get3A_3, %get3A_8 : vector<2000x128xf32>
    %mul3A = arith.constant 0.707106769 : f32
    %mul3A_9 = vector.broadcast %mul3A : f32 to vector<2000x128xf32>
    %mul3A_10 = arith.mulf %add3A, %mul3A_9 : vector<2000x128xf32>
    %get3A_11 = arith.constant 0 : index
    %get3A_12 = arith.constant 0 : index
    %get3A_13 = vector.load %arg2[%get3A_11, %get3A_12] : memref<2000x128xf32, #tpu.memory_space<vmem>>, vector<2000x128xf32>
    %get3A_14 = arith.constant 0 : index
    %get3A_15 = arith.constant 0 : index
    %get3A_16 = vector.load %arg3[%get3A_14, %get3A_15] : memref<128x128xf32, #tpu.memory_space<vmem>>, vector<128x128xf32>
    %dot_general3A = arith.constant dense<0.000000e+00> : vector<2000x128xf32>
    %dot_general3A_17 = tpu.matmul %get3A_13, %get3A_16, %dot_general3A {dimension_numbers = #tpu.dot_dimension_numbers<[1], [0], [0], [1], [0, 0, 1, 1], [], []>, transpose_lhs_hint = false} : vector<2000x128xf32>, vector<128x128xf32>, vector<2000x128xf32> -> vector<2000x128xf32>
    %get3A_18 = arith.constant 0 : index
    %get3A_19 = arith.constant 0 : index
    %get3A_20 = vector.load %arg4[%get3A_18, %get3A_19] : memref<1x128xf32, #tpu.memory_space<vmem>>, vector<1x128xf32>
    %add3A_21 = vector.broadcast %get3A_20 : vector<1x128xf32> to vector<2000x128xf32>
    %add3A_22 = arith.addf %mul3A_10, %add3A_21 : vector<2000x128xf32>
    %mul3A_23 = arith.constant 0.707106769 : f32
    %mul3A_24 = vector.broadcast %mul3A_23 : f32 to vector<2000x128xf32>
    %mul3A_25 = arith.mulf %dot_general3A_17, %mul3A_24 : vector<2000x128xf32>
    %add3A_26 = arith.addf %add3A_22, %mul3A_25 : vector<2000x128xf32>
    %swap3A = arith.constant 0 : index
    %swap3A_27 = arith.constant 0 : index
    %swap3A_28 = vector.load %arg5[%swap3A, %swap3A_27] : memref<2000x128xf32, #tpu.memory_space<vmem>>, vector<2000x128xf32>
    tpu.vector_store %arg5[%swap3A, %swap3A_27], %add3A_26 {strides = array<i32>} : memref<2000x128xf32, #tpu.memory_space<vmem>>, vector<2000x128xf32>,
    return
  }
  func.func @transform_0(%arg0: i32) -> (i32, i32, i32) {
    %c0_i32 = arith.constant 0 : i32
    %c0_i32_0 = arith.constant 0 : i32
    %c0_i32_1 = arith.constant 0 : i32
    return %c0_i32, %arg0, %c0_i32_0 : i32, i32, i32
  }
  func.func @transform_1(%arg0: i32) -> (i32, i32) {
    %c0_i32 = arith.constant 0 : i32
    %c0_i32_0 = arith.constant 0 : i32
    return %arg0, %c0_i32 : i32, i32
  }
  func.func @transform_2(%arg0: i32) -> (i32, i32) {
    %c0_i32 = arith.constant 0 : i32
    %c0_i32_0 = arith.constant 0 : i32
    %c0_i32_1 = arith.constant 0 : i32
    return %c0_i32, %c0_i32_0 : i32, i32
  }
  func.func @transform_3(%arg0: i32) -> (i32, i32) {
    %c0_i32 = arith.constant 0 : i32
    %c0_i32_0 = arith.constant 0 : i32
    %c0_i32_1 = arith.constant 0 : i32
    return %c0_i32, %c0_i32_0 : i32, i32
  }
  func.func @transform_4(%arg0: i32) -> (i32, i32) {
    %c0_i32 = arith.constant 0 : i32
    %c0_i32_0 = arith.constant 0 : i32
    return %arg0, %c0_i32 : i32, i32
  }
}

</mosaic_0001>

<sc_bundles>
// kernel: kernel.5.cloned.1.call-start
scs
__scs_entry_jumppad:
0x0: {  	(pc) =	sbr.rel $0x88, $3  }
0x1: {  	(tag) =	ssettag $0x0;
	lr =	simm.s32 $0x1  }
0x2: {  	[smem:$0x3F9B] =	sst lr;
	_ =	strace $0xD0000000  }
0x3: {  	_ = 	snop  }
0x4: {  	_ = 	snop  }
0x5: {  	_ = 	snop  }
0x6: {  	_ = 	snop  }
0x7: {  	_ = 	snop  }
__scs_overlays_trampoline_lowered:
0x8: {  	[smem:$0x3FAA] =	sst s0  }
0x9: {  	[smem:$0x3FAB] =	sst s1  }
0xa: {  	[smem:$0x3FAC] =	sst s2  }
0xb: {  	[smem:$0x3FAD] =	sst s3  }
0xc: {  	[smem:$0x3FAE] =	sst s4  }
0xd: {  	[smem:$0x3FAF] =	sst s5  }
0xe: {  	[smem:$0x3FB0] =	sst s6  }
0xf: {  	[smem:$0x3FB1] =	sst s7  }
0x10: {  	[smem:$0x3FB2] =	sst s8  }
0x11: {  	[smem:$0x3FB3] =	sst s9;
	s0 =	simm.s32 @!p0 $0x0  }
0x12: {  	s1 =	sld [smem:$0x3F99];
	s0 =	simm.s32 @p0 $0x1  }
0x13: {  	[smem:$0x3FB4] =	sst s0;
	s0 =	simm.s32 @!p1 $0x0  }
0x14: {  	s2 =	sld [smem:$0x3F98];
	s0 =	simm.s32 @p1 $0x1  }
0x15: {  	[smem:$0x3FB5] =	sst s0;
	s0 =	simm.s32 @!p2 $0x0  }
0x16: {  	s3 =	sld [smem:$0x3FDB];
	s0 =	simm.s32 @p2 $0x1  }
0x17: {  	s4 =	simm.s32 $0x1BF5;
	[smem:$0x3FB7] =	sst s0  }
0x18: {  	s0 =	sld [smem:$0x3F9A];
	_ =	swait.ge [sflag:s4], $0x0  }
0x19: {  	s7 =	sld [smem:$0x3F9B]  }
0x1a: {  	s8 =	sadd.s32 $0xFFFFE003, lr  }
0x1b: {  	s9 =	sadd.s32 $0xFFFFFEF7, lr;
	s5 =	simm.s32 $0xFFFFFFFF;
	p2 =	slt.u32 s8, $0xFFFFF086  }
0x1c: {  	p1 =	slt.u32 s9, $0xF7A;
	s5 =	simm.s32 @!p2 $0x0  }
0x1d: {  	s5 =	simm.s32 @p1 $0x1;
	p0 =	seq.s32 s7, s2  }
0x1e: {  	s7 =	smul.u32 @!p0 $0xF7A, s2;
	p2 =	seq.s32 @!p0 s5, $0x0  }
0x1f: {  	s9 =	smul.u32 $0xF7A, s1;
	s8 =	simm.s32 @!p0 $0x1BF5;
	p2 =	por !p2, p0  }
0x20: {  	[sflag:s8] =	ssyncset.s32 @!p0 $0xFFFFF086;
	s6 =	sadd.s32 @!p0 s3, s7;
	s7 =	simm.s32 @!p0 $0x108  }
0x21: {  	s3 =	sadd.s32 s3, s9;
	s6 =	sadd.s32 @!p0 $0x88, s6;
	s7 =	simm.s32 @p2 $0x1082  }
0x22: {  	[simem:s7], [sflag:s8] =	dma.local @!p0 [hbm:s6], $0xF7A  }
0x23: {  	s9 =	sor.u32 $0xD0000000, s2;
	s6 =	simm.s32 $0x108;
	_ =	swait.ge @!p0 [sflag:s8], $0x0  }
0x24: {  	s3 =	sadd.s32 $0x88, s3;
	s6 =	simm.s32 @!p1 $0x1082;
	[sflag:s4] =	ssyncset.s32 $0xFFFFF086  }
0x25: {  	[simem:s6], [sflag:s4] =	dma.local [hbm:s3], $0xF7A  }
0x26: {  	[smem:$0x3F9B] =	sst s1;
	(tag) =	ssettag s2;
	_ =	strace s9  }
0x27: {  	s1 =	sld [smem:$0x3FAB]  }
0x28: {  	s2 =	sld [smem:$0x3FAC]  }
0x29: {  	s4 =	sld [smem:$0x3FAE]  }
0x2a: {  	p0 =	seq.s32 s5, $0x0;
	s5 =	sld [smem:$0x3FAF]  }
0x2b: {  	s6 =	sld [smem:$0x3FB0]  }
0x2c: {  	s7 =	sld [smem:$0x3FB1]  }
0x2d: {  	s3 =	simm.s32 $0x108;
	s8 =	sld [smem:$0x3FB2]  }
0x2e: {  	s3 =	simm.s32 @!p0 $0x1082;
	s9 =	sld [smem:$0x3FB3]  }
0x2f: {  	lr =	sadd.s32 s0, s3;
	s0 =	sld [smem:$0x3FAA]  }
0x30: {  	s3 =	sld [smem:$0x3FAD]  }
0x31: {  	[smem:$0x3FB6] =	sst s10  }
0x32: {  	s10 =	sld [smem:$0x3FB4];
	_ =	sdelay $0x3  }
0x33: {  	p0 =	seq.s32 s10, $0x1;
	s10 =	sld [smem:$0x3FB6];
	_ =	sdelay $0x3  }
0x34: {  	[smem:$0x3FB6] =	sst s10  }
0x35: {  	s10 =	sld [smem:$0x3FB5];
	_ =	sdelay $0x3  }
0x36: {  	p1 =	seq.s32 s10, $0x1;
	s10 =	sld [smem:$0x3FB6];
	_ =	sdelay $0x3  }
0x37: {  	[smem:$0x3FB6] =	sst s10  }
0x38: {  	s10 =	sld [smem:$0x3FB7]  }
0x39: {  	_ = 	snop;
	(pc) =	sbr.ind lr, $3  }
0x3a: {  	_ = 	snop  }
0x3b: {  	_ = 	snop  }
0x3c: {  	p2 =	seq.s32 s10, $0x1;
	s10 =	sld [smem:$0x3FB6]  }
0x3d: {  	_ =	shalt  }
0x3e: {  	_ =	shalt  }
0x3f: {  	_ =	shalt  }
0x40: {  	_ =	shalt  }
0x41: {  	_ =	shalt  }
0x42: {  	_ =	shalt  }
0x43: {  	_ =	shalt  }
0x44: {  	_ =	shalt  }
0x45: {  	_ =	shalt  }
0x46: {  	_ =	shalt  }
0x47: {  	_ =	shalt  }
0x48: {  	_ =	shalt  }
0x49: {  	_ =	shalt  }
0x4a: {  	_ =	shalt  }
0x4b: {  	_ =	shalt  }
0x4c: {  	_ =	shalt  }
0x4d: {  	_ =	shalt  }
0x4e: {  	_ =	shalt  }
0x4f: {  	_ =	shalt  }
0x50: {  	_ =	shalt  }
0x51: {  	_ =	shalt  }
0x52: {  	_ =	shalt  }
0x53: {  	_ =	shalt  }
0x54: {  	_ =	shalt  }
0x55: {  	_ =	shalt  }
0x56: {  	_ =	shalt  }
0x57: {  	_ =	shalt  }
0x58: {  	_ =	shalt  }
0x59: {  	_ =	shalt  }
0x5a: {  	_ =	shalt  }
0x5b: {  	_ =	shalt  }
0x5c: {  	_ =	shalt  }
0x5d: {  	_ =	shalt  }
0x5e: {  	_ =	shalt  }
0x5f: {  	_ =	shalt  }
0x60: {  	_ =	shalt  }
0x61: {  	_ =	shalt  }
0x62: {  	_ =	shalt  }
0x63: {  	_ =	shalt  }
0x64: {  	_ =	shalt  }
0x65: {  	_ =	shalt  }
0x66: {  	_ =	shalt  }
0x67: {  	_ =	shalt  }
0x68: {  	_ =	shalt  }
0x69: {  	_ =	shalt  }
0x6a: {  	_ =	shalt  }
0x6b: {  	_ =	shalt  }
0x6c: {  	_ =	shalt  }
0x6d: {  	_ =	shalt  }
0x6e: {  	_ =	shalt  }
0x6f: {  	_ =	shalt  }
0x70: {  	_ =	shalt  }
0x71: {  	_ =	shalt  }
0x72: {  	_ =	shalt  }
0x73: {  	_ =	shalt  }
0x74: {  	_ =	shalt  }
0x75: {  	_ =	shalt  }
0x76: {  	_ =	shalt  }
0x77: {  	_ =	shalt  }
0x78: {  	_ =	shalt  }
0x79: {  	_ =	shalt  }
0x7a: {  	_ =	shalt  }
0x7b: {  	_ =	shalt  }
0x7c: {  	_ =	shalt  }
0x7d: {  	_ =	shalt  }
0x7e: {  	_ =	shalt  }
0x7f: {  	_ =	shalt  }
0x80: {  	_ =	shalt  }
0x81: {  	_ =	shalt  }
0x82: {  	_ =	shalt  }
0x83: {  	_ =	shalt  }
0x84: {  	_ =	shalt  }
0x85: {  	_ =	shalt  }
0x86: {  	_ =	shalt  }
0x87: {  	_ =	shalt  }
.Lfunc_end0:
.L_simem_size_0:
called_computation_lowered:
.L_overlay_start_0:
0x88: {  	s2 =	sld [smem:$0x3FD9]  }
0x89: {  	s3 =	sld [smem:$0x3FFE];
	_ =	sdelay $0x1  }
0x8a: {  	s1 =	srdreg.scid  }
0x8b: {  	s0 =	sand.u32 $0x1, s1  }
0x8c: {  	s17 =	sshll.u32 s0, $0xA;
	s2 =	sadd.s32 s3, s2  }
0x8d: {  	s2 =	sadd.s32 s2, s17  }
0x8e: {  	[smem:$0x3FC2] =	sst s2  }
0x8f: {  	_ = 	snop  }
0x90: {  	s2 =	sld [smem:$0x3FD0];
	(tm) =	ssettm $0x1  }
0x91: {  	s18 =	sld [smem:$0x3FFB];
	_ =	sdelay $0x3  }
0x92: {  	_ =	strace s18  }
0x93: {  	s3 =	sld [smem:$0x3FFC];
	_ =	sdelay $0x3  }
0x94: {  	_ =	strace s3  }
0x95: {  	s3 =	sld [smem:$0x3FFD];
	_ =	sdelay $0x3  }
0x96: {  	_ =	strace s3  }
0x97: {  	_ =	strace $0x8FFFFFFF  }
0x98: {  	s19 =	sld [smem:$0x3FDB];
	_ =	sdelay $0x1  }
0x99: {  	s4 =	simm.s32 $_scs_section_size  }
0x9a: {  	s5 =	simm.s32 $_size__tile_overlayer_lowered;
	s6 =	simm.s32 $_tile_overlayer_lowered  }
0x9b: {  	s22 =	simm.s32 $0x1BFF;
	s21 =	sshll.u32 s6, $0x1;
	s3 =	sadd.s32 s4, s19  }
0x9c: {  	s7 =	simm.s32 $0x0;
	s20 =	sshll.u32 s5, $0x1;
	s5 =	sadd.s32 s21, s3  }
0x9d: {  	[timem:s7], [sflag:s22] =	dma.local [hbm:s5], s20  }
0x9e: {  	_ =	swait.ge [sflag:s22], s20  }
0x9f: {  	s4 =	ssub.s32 $0x0, s20;
	[sflag:s22] =	ssyncset.done $0x0  }
0xa0: {  	[sflag:s22] =	ssyncadd.s32 s4;
	_ =	sdelay $0x1  }
0xa1: {  	s23 =	simm.s32 $0x1B8B  }
0xa2: {  	_ =	swait.ge [sflag:s23], $0x1  }
0xa3: {  	[sflag:s23] =	ssyncset.done $0x0  }
0xa4: {  	s25 =	simm.s32 $0x1B8E;
	s24 =	sld [smem:$0x3FFE];
	[sflag:s23] =	ssyncadd.s32 $0xFFFFFFFF  }
0xa5: {  	s26 =	simm.s32 $execute0_lowered;
	[smem:$0x3FD2] =	sst s25  }
0xa6: {  	s5 =	sshll.u32 s26, $0x1;
	_ =	strace $0x80000046;
	[dreg:$0x1] =	wrdreg $0xFFFFFFFF  }
0xa7: {  	s28 =	simm.s32 $_size_execute0_lowered;
	s3 =	sadd.s32 s3, s5;
	[dreg:$0x0] =	wrdreg $0x0  }
0xa8: {  	s5 =	sshll.u32 s28, $0x1;
	[dreg:$0x2] =	wrdreg s3  }
0xa9: {  	[dreg:$0x3] =	wrdreg s5  }
0xaa: {  	[dreg:$0x4] =	wrdreg $0xC0  }
0xab: {  	_ =	task [dreg:s7], $0x5FFFF  }
0xac: {  	[dreg:$0x1] =	wrdreg $0xFFFFFFFF  }
0xad: {  	[dreg:$0x0] =	wrdreg $0x60  }
0xae: {  	[dreg:$0x2] =	wrdreg s24  }
0xaf: {  	[dreg:$0x3] =	wrdreg s2  }
0xb0: {  	[dreg:$0x4] =	wrdreg $0xA8000  }
0xb1: {  	[dreg:$0x5] =	wrdreg $0x9  }
0xb2: {  	_ =	task.clear_ibuf [dreg:s7], $0x6FFFF;
	_ =	strace $0x90000046  }
0xb3: {  	s29 =	simm.s32 $0x9;
	_ =	strace $0x80000048  }
0xb4: {  	_ =	swait.ge [sflag:s29], $0x1  }
0xb5: {  	[sflag:s29] =	ssyncadd.s32 $0xFFFFFFFF  }
0xb6: {  	_ =	strace $0x90000048  }
0xb7: {  	_ =	sfence  }
0xb8: {  	s30 =	sld [smem:$0x0];
	_ =	sdelay $0x2  }
0xb9: {  	s31 =	sshll.u32 s1, $0xD;
	s1 =	sshrl.u32 s1, $0x2  }
0xba: {  	s3 =	sand.u32 $0x4000, s31;
	s1 =	sadd.s32 s1, s30  }
0xbb: {  	s0 =	sor.u32 s3, s0;
	s1 =	sshll.u32 s1, $0x11  }
0xbc: {  	s0 =	sor.u32 s1, s0  }
0xbd: {  	s0 =	sadd.s32 $0x8F2B, s0  }
0xbe: {  	[sflag:s0] =	ssyncadd.remote.s32 $0x1  }
0xbf: {  	_ =	sfence.sel $0xFFFF  }
0xc0: {  	[dreg:$0x0] =	wrdreg $0xFFFFFFFF;
	(pc) =	sbr.abs _section_cstart, $3  }
0xc1: {  	[dreg:$0x1] =	wrdreg $0xFFFFFFFF  }
0xc2: {  	_ =	task.clear_ibuf [dreg:s7], $0x2FFFF;
	_ =	strace $0x9FFFFFFF  }
0xc3: {  	(tm) =	ssettm $0x7FFFFFFF  }
tec
execute0_lowered:
.L_overlay_start_1:
0x0: {  	(tag) =	ssettag $0x1  }
0x1: {  	s0 =	rddreg [dreg:$0x0]  }
0x2: {  	s2 =	rddreg [dreg:$0x1]  }
0x3: {  	s1 =	rddreg [dreg:$0x2];
	s3 =	simm.s32 $0x0  }
0x4: {  	s4 =	srdreg.scid;
	s10 =	stileid.u32;
	s28 =	simm.s32 $0x2700  }
0x5: {  	s29 =	simm.s32 $0x2780;
	s30 =	simm.s32 $0x0;
	[smem:$0x7FF] =	sst s3  }
0x6: {  	s8 =	sand.u32 $0x1, s4;
	s4 =	sadd.s32 $0xAE00, s0;
	s6 =	smul.u32 $0x4F000, s10  }
0x7: {  	s13 =	sadd.s32 $0xE00, s0;
	s0 =	sadd.s32 $0x14AE00, s0;
	s12 =	smul.u32 $0x13C00, s10  }
0x8: {  	_ =	strace $0x80000047;
	s5 =	ssub.s32 $0x2, s8;
	s9 =	sshll.u32 s8, $0x4  }
0x9: {  	s7 =	sshrl.u32 s5, $0x1;
	s6 =	sshrl.u32 s6, $0x2;
	s20 =	sor.u32 s10, s9  }
0xa: {  	s14 =	sadd.s32 $0x4000, s12;
	s16 =	sadd.s32 $0x8000, s12;
	s17 =	sadd.s32 $0xC000, s12  }
0xb: {  	s18 =	sadd.s32 $0x10000, s12;
	s19 =	ssub.s32 s5, s7;
	s9 =	smul.u32 $0x2800, s20  }
0xc: {  	s5 =	sadd.s32 s6, s1;
	s6 =	sadd.s32 s14, s1;
	s20 =	smul.u32 $0x13C000, s8  }
0xd: {  	s7 =	sadd.s32 s16, s1;
	s8 =	sadd.s32 s17, s1;
	s19 =	smax.u32 s19, $0x1  }
0xe: {  	s15 =	sshrl.u32 s9, $0x3;
	s9 =	sadd.s32 s18, s1;
	s23 =	sadd.s32 s20, s14  }
0xf: {  	s25 =	sadd.s32 s20, s16;
	s26 =	sadd.s32 s20, s17;
	s18 =	sadd.s32 s20, s18  }
0x10: {  	s21 =	sadd.s32 s2, s15;
	s11 =	sadd.s32 s13, s15;
	s15 =	sadd.s32 $0x280, s15  }
0x11: {  	s24 =	sshrl.u32 s23, $0x3;
	s17 =	sshrl.u32 s26, $0x3;
	s31 =	sshrl.u32 s18, $0x3  }
0x12: {  	s23 =	simm.s32 $0x80;
	s26 =	simm.s32 $0x2;
	[dreg:$0x4] =	wrdreg s21  }
0x13: {  	s21 =	sadd.s32 s12, s20;
	s12 =	sadd.s32 s2, s15;
	s13 =	sadd.s32 s13, s15  }
0x14: {  	s15 =	sadd.s32 s0, s24;
	s2 =	sshrl.u32 s25, $0x3;
	s17 =	sadd.s32 s0, s17  }
0x15: {  	s18 =	sadd.s32 s0, s31;
	s20 =	simm.s32 $0x2800;
	s24 =	simm.s32 $0x6800  }
0x16: {  	s25 =	simm.s32 $0x1;
	s22 =	sshrl.u32 s21, $0x3;
	s16 =	sadd.s32 s0, s2  }
0x17: {  	v0 =	vimm.f32 $0.0e+00;
	s21 =	simm.s32 $0x3;
	s14 =	sadd.s32 s0, s22;
	s22 =	simm.s32 $0x1400  }
.LBB2_1:
0x18: {  	s0 =	sand.u32 $0xFE00, s3  }
0x19: {  	s2 =	sand.u32 $0x70, s3;
	s0 =	sshrl.u32 s0, $0x2  }
0x1a: {  	s31 =	simm.s32 $0x40;
	s2 =	sor.u32 s2, s0;
	s0 =	simm.s32 $0x0  }
.LBB2_2:
0x1b: {  	p0 =	sne.s32 s31, $0xFFC0  }
0x1c: {  	[tilespmem:s2+$0x2800] =	vst v0;
	s0 =	sadd.s32 $0x10, s0;
	s2 =	smov.u32 s31;
	s31 =	sadd.s32 $0x40, s31  }
.Ltmp0:
0x1d: {  	(pc) =	sbr.rel @p0 .LBB2_2-.Ltmp0, $4  }
0x1e: {  	_ = 	snop  }
0x1f: {  	s2 =	sand.u32 $0xFE00, s2  }
0x20: {  	s10 =	sand.u32 $0x70, s0;
	s2 =	sshrl.u32 s2, $0x2  }
0x21: {  	s2 =	sor.u32 s10, s2  }
0x22: {  	[tilespmem:s2+$0x2800] =	vst v0  }
0x23: {  	[spmem:s5] =	stream.linear.scatter [tilespmem:s20], [sflag:$0x3], $0x4000, $0x38;
	[tilespmem:$0x1E400] =	vst v63  }
0x24: {  	_ =	swait.ge [sflag:s21], $0x4000  }
0x25: {  	[sflag:s21] =	ssyncset.done $0x0  }
0x26: {  	[sflag:s21] =	ssyncadd.s32 $0xFFFFC000  }
0x27: {  	[spmem:s6] =	stream.linear.scatter [tilespmem:s20], [sflag:$0x3], $0x4000, $0x38;
	[tilespmem:$0x1E400] =	vst v63  }
0x28: {  	_ =	swait.ge [sflag:s21], $0x4000  }
0x29: {  	[sflag:s21] =	ssyncset.done $0x0  }
0x2a: {  	[sflag:s21] =	ssyncadd.s32 $0xFFFFC000  }
0x2b: {  	[spmem:s7] =	stream.linear.scatter [tilespmem:s20], [sflag:$0x3], $0x4000, $0x38;
	[tilespmem:$0x1E400] =	vst v63  }
0x2c: {  	_ =	swait.ge [sflag:s21], $0x4000  }
0x2d: {  	[sflag:s21] =	ssyncset.done $0x0  }
0x2e: {  	[sflag:s21] =	ssyncadd.s32 $0xFFFFC000  }
0x2f: {  	[spmem:s8] =	stream.linear.scatter [tilespmem:s20], [sflag:$0x3], $0x4000, $0x38;
	[tilespmem:$0x1E400] =	vst v63  }
0x30: {  	_ =	swait.ge [sflag:s21], $0x4000  }
0x31: {  	[sflag:s21] =	ssyncset.done $0x0  }
0x32: {  	[sflag:s21] =	ssyncadd.s32 $0xFFFFC000  }
0x33: {  	[spmem:s9] =	stream.linear.scatter [tilespmem:s20], [sflag:$0x3], $0x3C00, $0x38;
	[tilespmem:$0x1E400] =	vst v63  }
0x34: {  	_ =	swait.ge [sflag:s21], $0x3C00  }
0x35: {  	[sflag:s21] =	ssyncset.done $0x0  }
0x36: {  	[sflag:s21] =	ssyncadd.s32 $0xFFFFC400  }
0x37: {  	[bflag:$0x0] =	sbarrier.arrive $0xFFFF  }
0x38: {  	s0 =	simm.s32 $0x0;
	s10 =	rddreg [dreg:$0x4]  }
0x39: {  	[tilespmem:s0], [sflag:$0x3] =	stream.linear.gather [hbm4b:s10+s0], $0x1400, $0x38;
	[tilespmem:$0x1E400] =	vst v63  }
0x3a: {  	_ =	swait.ge [sflag:s21], $0x1400  }
0x3b: {  	[sflag:s21] =	ssyncset.done $0x0  }
0x3c: {  	[sflag:s21] =	ssyncadd.s32 $0xFFFFEC00  }
0x3d: {  	[tilespmem:s22], [sflag:$0x3] =	stream.linear.gather [hbm4b:s11+s0], $0x1400, $0x38;
	[tilespmem:$0x1E400] =	vst v63  }
0x3e: {  	_ =	swait.ge [sflag:s21], $0x1400  }
0x3f: {  	[sflag:s21] =	ssyncset.done $0x0  }
0x40: {  	[sflag:s21] =	ssyncadd.s32 $0xFFFFEC00  }
0x41: {  	[tilespmem:s20], [sflag:$0x1] =	stream.indirect.gather [hbm4b:s4+s23], $0x80, s0, s23, $0xb8;
	[tilespmem:$0x1E400] =	vst v63  }
0x42: {  	_ = 	snop  }
0x43: {  	[tilespmem:s24], [sflag:$0x2] =	stream.indirect.gather [hbm4b:s4+s23], $0x80, s23, s23, $0xb8;
	[tilespmem:$0x1E400] =	vst v63  }
0x44: {  	_ =	swait.ge [sflag:s25], $0x4000  }
0x45: {  	[sflag:s25] =	ssyncset.done $0x0  }
0x46: {  	s10 =	simm.s32 $0x1400;
	[sflag:s25] =	ssyncadd.s32 $0xFFFFC000  }
0x47: {  	[spmem:s1] =	stream.indirect.scatter.add.f32 [tilespmem:s20], [sflag:$0x3], $0x80, s10, s23, $0xb8;
	[tilespmem:$0x1E400] =	vst v63  }
0x48: {  	_ =	swait.ge [sflag:s21], $0x4000  }
0x49: {  	[sflag:s21] =	ssyncset.done $0x0  }
0x4a: {  	s2 =	simm.s32 $0x100;
	[sflag:s21] =	ssyncadd.s32 $0xFFFFC000  }
0x4b: {  	[tilespmem:s20], [sflag:$0x1] =	stream.indirect.gather [hbm4b:s4+s23], $0x80, s2, s23, $0xb8;
	[tilespmem:$0x1E400] =	vst v63  }
0x4c: {  	_ =	swait.ge [sflag:s26], $0x4000  }
0x4d: {  	[sflag:s26] =	ssyncset.done $0x0  }
0x4e: {  	s10 =	simm.s32 $0x1480;
	[sflag:s26] =	ssyncadd.s32 $0xFFFFC000  }
0x4f: {  	[spmem:s1] =	stream.indirect.scatter.add.f32 [tilespmem:s24], [sflag:$0x3], $0x80, s10, s23, $0xb8;
	[tilespmem:$0x1E400] =	vst v63  }
0x50: {  	_ =	swait.ge [sflag:s21], $0x4000  }
0x51: {  	[sflag:s21] =	ssyncset.done $0x0  }
0x52: {  	s31 =	simm.s32 $0x400;
	s0 =	simm.s32 $0x180;
	[sflag:s21] =	ssyncadd.s32 $0xFFFFC000  }
.LBB2_4:
0x53: {  	[tilespmem:s24], [sflag:$0x2] =	stream.indirect.gather [hbm4b:s4+s23], $0x80, s0, s23, $0xb8;
	[tilespmem:$0x1E400] =	vst v63  }
0x54: {  	s0 =	smov.u32 s31  }
0x55: {  	p0 =	sne.s32 s31, $0x4800;
	s31 =	sadd.s32 $0x400, s31;
	_ =	swait.ge [sflag:s25], $0x4000  }
0x56: {  	s0 =	sshra.s32 s0, $0x2;
	[sflag:s25] =	ssyncset.done $0x0  }
0x57: {  	s2 =	sadd.s32 $0x1400, s0;
	[sflag:s25] =	ssyncadd.s32 $0xFFFFC000  }
0x58: {  	[spmem:s1] =	stream.indirect.scatter.add.f32 [tilespmem:s20], [sflag:$0x3], $0x80, s2, s23, $0xb8;
	[tilespmem:$0x1E400] =	vst v63  }
0x59: {  	_ =	swait.ge [sflag:s21], $0x4000  }
0x5a: {  	[sflag:s21] =	ssyncset.done $0x0  }
0x5b: {  	s2 =	sadd.s32 $0x100, s0;
	[sflag:s21] =	ssyncadd.s32 $0xFFFFC000  }
0x5c: {  	[tilespmem:s20], [sflag:$0x1] =	stream.indirect.gather [hbm4b:s4+s23], $0x80, s2, s23, $0xb8;
	[tilespmem:$0x1E400] =	vst v63  }
0x5d: {  	_ =	swait.ge [sflag:s26], $0x4000  }
0x5e: {  	[sflag:s26] =	ssyncset.done $0x0  }
.Ltmp1:
0x5f: {  	s2 =	sadd.s32 $0x1480, s0;
	[sflag:s26] =	ssyncadd.s32 $0xFFFFC000;
	(pc) =	sbr.rel @p0 .LBB2_4-.Ltmp1, $4  }
0x60: {  	[spmem:s1] =	stream.indirect.scatter.add.f32 [tilespmem:s24], [sflag:$0x3], $0x80, s2, s23, $0xb8;
	[tilespmem:$0x1E400] =	vst v63  }
0x61: {  	_ =	swait.ge [sflag:s21], $0x4000  }
0x62: {  	[sflag:s21] =	ssyncset.done $0x0  }
0x63: {  	s0 =	sadd.s32 $0x180, s0;
	[sflag:s21] =	ssyncadd.s32 $0xFFFFC000  }
0x64: {  	[tilespmem:s24], [sflag:$0x2] =	stream.indirect.gather [hbm4b:s4+s23], $0x80, s0, s23, $0xb8;
	[tilespmem:$0x1E400] =	vst v63  }
0x65: {  	_ =	swait.ge [sflag:s25], $0x4000  }
0x66: {  	[sflag:s25] =	ssyncset.done $0x0  }
0x67: {  	[sflag:s25] =	ssyncadd.s32 $0xFFFFC000  }
0x68: {  	[spmem:s1] =	stream.indirect.scatter.add.f32 [tilespmem:s20], [sflag:$0x3], $0x80, s28, s23, $0xb8;
	[tilespmem:$0x1E400] =	vst v63  }
0x69: {  	_ =	swait.ge [sflag:s21], $0x4000  }
0x6a: {  	[sflag:s21] =	ssyncset.done $0x0  }
0x6b: {  	[sflag:s21] =	ssyncadd.s32 $0xFFFFC000  }
0x6c: {  	_ =	swait.ge [sflag:s26], $0x4000  }
0x6d: {  	[sflag:s26] =	ssyncset.done $0x0  }
0x6e: {  	[sflag:s26] =	ssyncadd.s32 $0xFFFFC000  }
0x6f: {  	[spmem:s1] =	stream.indirect.scatter.add.f32 [tilespmem:s24], [sflag:$0x3], $0x80, s29, s23, $0xb8;
	[tilespmem:$0x1E400] =	vst v63  }
0x70: {  	_ =	swait.ge [sflag:s21], $0x4000  }
0x71: {  	[sflag:s21] =	ssyncset.done $0x0  }
0x72: {  	s2 =	simm.s32 $0x0;
	[sflag:s21] =	ssyncadd.s32 $0xFFFFC000  }
0x73: {  	[tilespmem:s2], [sflag:$0x3] =	stream.linear.gather [hbm4b:s12+s2], $0x1400, $0x38;
	[tilespmem:$0x1E400] =	vst v63  }
0x74: {  	_ =	swait.ge [sflag:s21], $0x1400  }
0x75: {  	[sflag:s21] =	ssyncset.done $0x0  }
0x76: {  	[sflag:s21] =	ssyncadd.s32 $0xFFFFEC00  }
0x77: {  	[tilespmem:s22], [sflag:$0x3] =	stream.linear.gather [hbm4b:s13+s2], $0x1400, $0x38;
	[tilespmem:$0x1E400] =	vst v63  }
0x78: {  	_ =	swait.ge [sflag:s21], $0x1400  }
0x79: {  	[sflag:s21] =	ssyncset.done $0x0  }
0x7a: {  	[sflag:s21] =	ssyncadd.s32 $0xFFFFEC00  }
0x7b: {  	[tilespmem:s20], [sflag:$0x1] =	stream.indirect.gather [hbm4b:s4+s23], $0x80, s2, s23, $0xb8;
	[tilespmem:$0x1E400] =	vst v63  }
0x7c: {  	_ = 	snop  }
0x7d: {  	[tilespmem:s24], [sflag:$0x2] =	stream.indirect.gather [hbm4b:s4+s23], $0x80, s23, s23, $0xb8;
	[tilespmem:$0x1E400] =	vst v63  }
0x7e: {  	_ =	swait.ge [sflag:s25], $0x4000  }
0x7f: {  	[sflag:s25] =	ssyncset.done $0x0  }
0x80: {  	s10 =	simm.s32 $0x1400;
	[sflag:s25] =	ssyncadd.s32 $0xFFFFC000  }
0x81: {  	[spmem:s1] =	stream.indirect.scatter.add.f32 [tilespmem:s20], [sflag:$0x3], $0x80, s10, s23, $0xb8;
	[tilespmem:$0x1E400] =	vst v63  }
0x82: {  	_ =	swait.ge [sflag:s21], $0x4000  }
0x83: {  	[sflag:s21] =	ssyncset.done $0x0  }
0x84: {  	s2 =	simm.s32 $0x100;
	[sflag:s21] =	ssyncadd.s32 $0xFFFFC000  }
0x85: {  	[tilespmem:s20], [sflag:$0x1] =	stream.indirect.gather [hbm4b:s4+s23], $0x80, s2, s23, $0xb8;
	[tilespmem:$0x1E400] =	vst v63  }
0x86: {  	_ =	swait.ge [sflag:s26], $0x4000  }
0x87: {  	[sflag:s26] =	ssyncset.done $0x0  }
0x88: {  	s10 =	simm.s32 $0x1480;
	[sflag:s26] =	ssyncadd.s32 $0xFFFFC000  }
0x89: {  	[spmem:s1] =	stream.indirect.scatter.add.f32 [tilespmem:s24], [sflag:$0x3], $0x80, s10, s23, $0xb8;
	[tilespmem:$0x1E400] =	vst v63  }
0x8a: {  	_ =	swait.ge [sflag:s21], $0x4000  }
0x8b: {  	[sflag:s21] =	ssyncset.done $0x0  }
0x8c: {  	s31 =	simm.s32 $0x400;
	s0 =	simm.s32 $0x180;
	[sflag:s21] =	ssyncadd.s32 $0xFFFFC000  }
.LBB2_6:
0x8d: {  	[tilespmem:s24], [sflag:$0x2] =	stream.indirect.gather [hbm4b:s4+s23], $0x80, s0, s23, $0xb8;
	[tilespmem:$0x1E400] =	vst v63  }
0x8e: {  	s0 =	smov.u32 s31  }
0x8f: {  	p0 =	sne.s32 s31, $0x4800;
	s31 =	sadd.s32 $0x400, s31;
	_ =	swait.ge [sflag:s25], $0x4000  }
0x90: {  	s0 =	sshra.s32 s0, $0x2;
	[sflag:s25] =	ssyncset.done $0x0  }
0x91: {  	s2 =	sadd.s32 $0x1400, s0;
	[sflag:s25] =	ssyncadd.s32 $0xFFFFC000  }
0x92: {  	[spmem:s1] =	stream.indirect.scatter.add.f32 [tilespmem:s20], [sflag:$0x3], $0x80, s2, s23, $0xb8;
	[tilespmem:$0x1E400] =	vst v63  }
0x93: {  	_ =	swait.ge [sflag:s21], $0x4000  }
0x94: {  	[sflag:s21] =	ssyncset.done $0x0  }
0x95: {  	s2 =	sadd.s32 $0x100, s0;
	[sflag:s21] =	ssyncadd.s32 $0xFFFFC000  }
0x96: {  	[tilespmem:s20], [sflag:$0x1] =	stream.indirect.gather [hbm4b:s4+s23], $0x80, s2, s23, $0xb8;
	[tilespmem:$0x1E400] =	vst v63  }
0x97: {  	_ =	swait.ge [sflag:s26], $0x4000  }
0x98: {  	[sflag:s26] =	ssyncset.done $0x0  }
.Ltmp2:
0x99: {  	s2 =	sadd.s32 $0x1480, s0;
	[sflag:s26] =	ssyncadd.s32 $0xFFFFC000;
	(pc) =	sbr.rel @p0 .LBB2_6-.Ltmp2, $4  }
0x9a: {  	[spmem:s1] =	stream.indirect.scatter.add.f32 [tilespmem:s24], [sflag:$0x3], $0x80, s2, s23, $0xb8;
	[tilespmem:$0x1E400] =	vst v63  }
0x9b: {  	_ =	swait.ge [sflag:s21], $0x4000  }
0x9c: {  	[sflag:s21] =	ssyncset.done $0x0  }
0x9d: {  	s0 =	sadd.s32 $0x180, s0;
	[sflag:s21] =	ssyncadd.s32 $0xFFFFC000  }
0x9e: {  	[tilespmem:s24], [sflag:$0x2] =	stream.indirect.gather [hbm4b:s4+s23], $0x80, s0, s23, $0xb8;
	[tilespmem:$0x1E400] =	vst v63  }
0x9f: {  	_ =	swait.ge [sflag:s25], $0x4000  }
0xa0: {  	[sflag:s25] =	ssyncset.done $0x0  }
0xa1: {  	[sflag:s25] =	ssyncadd.s32 $0xFFFFC000  }
0xa2: {  	[spmem:s1] =	stream.indirect.scatter.add.f32 [tilespmem:s20], [sflag:$0x3], $0x80, s28, s23, $0xb8;
	[tilespmem:$0x1E400] =	vst v63  }
0xa3: {  	_ =	swait.ge [sflag:s21], $0x4000  }
0xa4: {  	[sflag:s21] =	ssyncset.done $0x0  }
0xa5: {  	[sflag:s21] =	ssyncadd.s32 $0xFFFFC000  }
0xa6: {  	_ =	swait.ge [sflag:s26], $0x4000  }
0xa7: {  	[sflag:s26] =	ssyncset.done $0x0  }
0xa8: {  	[sflag:s26] =	ssyncadd.s32 $0xFFFFC000  }
0xa9: {  	[spmem:s1] =	stream.indirect.scatter.add.f32 [tilespmem:s24], [sflag:$0x3], $0x80, s29, s23, $0xb8;
	[tilespmem:$0x1E400] =	vst v63  }
0xaa: {  	_ =	swait.ge [sflag:s21], $0x4000  }
0xab: {  	[sflag:s21] =	ssyncset.done $0x0  }
0xac: {  	[sflag:s21] =	ssyncadd.s32 $0xFFFFC000  }
0xad: {  	[bflag:$0x0] =	sbarrier.arrive $0xFFFF  }
0xae: {  	[tilespmem:s20], [sflag:$0x3] =	stream.linear.gather [spmem:s5], $0x4000, $0x38;
	[tilespmem:$0x1E400] =	vst v63  }
0xaf: {  	_ =	swait.ge [sflag:s21], $0x4000  }
0xb0: {  	[sflag:s21] =	ssyncset.done $0x0  }
0xb1: {  	[sflag:s21] =	ssyncadd.s32 $0xFFFFC000  }
0xb2: {  	[hbm4b:s14+s3] =	stream.linear.scatter [tilespmem:s20], [sflag:$0x3], $0x4000, $0x38;
	[tilespmem:$0x1E400] =	vst v63  }
0xb3: {  	_ =	swait.ge [sflag:s21], $0x4000  }
0xb4: {  	[sflag:s21] =	ssyncset.done $0x0  }
0xb5: {  	[sflag:s21] =	ssyncadd.s32 $0xFFFFC000  }
0xb6: {  	[tilespmem:s24], [sflag:$0x3] =	stream.linear.gather [spmem:s6], $0x4000, $0x38;
	[tilespmem:$0x1E400] =	vst v63  }
0xb7: {  	_ =	swait.ge [sflag:s21], $0x4000  }
0xb8: {  	[sflag:s21] =	ssyncset.done $0x0  }
0xb9: {  	[sflag:s21] =	ssyncadd.s32 $0xFFFFC000  }
0xba: {  	[hbm4b:s15+s3] =	stream.linear.scatter [tilespmem:s24], [sflag:$0x3], $0x4000, $0x38;
	[tilespmem:$0x1E400] =	vst v63  }
0xbb: {  	_ =	swait.ge [sflag:s21], $0x4000  }
0xbc: {  	[sflag:s21] =	ssyncset.done $0x0  }
0xbd: {  	[sflag:s21] =	ssyncadd.s32 $0xFFFFC000  }
0xbe: {  	[tilespmem:s20], [sflag:$0x3] =	stream.linear.gather [spmem:s7], $0x4000, $0x38;
	[tilespmem:$0x1E400] =	vst v63  }
0xbf: {  	_ =	swait.ge [sflag:s21], $0x4000  }
0xc0: {  	[sflag:s21] =	ssyncset.done $0x0  }
0xc1: {  	[sflag:s21] =	ssyncadd.s32 $0xFFFFC000  }
0xc2: {  	[hbm4b:s16+s3] =	stream.linear.scatter [tilespmem:s20], [sflag:$0x3], $0x4000, $0x38;
	[tilespmem:$0x1E400] =	vst v63  }
0xc3: {  	_ =	swait.ge [sflag:s21], $0x4000  }
0xc4: {  	[sflag:s21] =	ssyncset.done $0x0  }
0xc5: {  	[sflag:s21] =	ssyncadd.s32 $0xFFFFC000  }
0xc6: {  	[tilespmem:s24], [sflag:$0x3] =	stream.linear.gather [spmem:s8], $0x4000, $0x38;
	[tilespmem:$0x1E400] =	vst v63  }
0xc7: {  	_ =	swait.ge [sflag:s21], $0x4000  }
0xc8: {  	[sflag:s21] =	ssyncset.done $0x0  }
0xc9: {  	[sflag:s21] =	ssyncadd.s32 $0xFFFFC000  }
0xca: {  	[hbm4b:s17+s3] =	stream.linear.scatter [tilespmem:s24], [sflag:$0x3], $0x4000, $0x38;
	[tilespmem:$0x1E400] =	vst v63  }
0xcb: {  	_ =	swait.ge [sflag:s21], $0x4000  }
0xcc: {  	[sflag:s21] =	ssyncset.done $0x0  }
0xcd: {  	[sflag:s21] =	ssyncadd.s32 $0xFFFFC000  }
0xce: {  	[tilespmem:s20], [sflag:$0x3] =	stream.linear.gather [spmem:s9], $0x3C00, $0x38;
	[tilespmem:$0x1E400] =	vst v63  }
0xcf: {  	s30 =	sadd.s32 $0x1, s30;
	_ =	swait.ge [sflag:s21], $0x3C00  }
0xd0: {  	p0 =	sne.s32 s30, s19;
	[sflag:s21] =	ssyncset.done $0x0  }
.Ltmp3:
0xd1: {  	[sflag:s21] =	ssyncadd.s32 $0xFFFFC400;
	(pc) =	sbr.rel @p0 .LBB2_1-.Ltmp3, $4  }
0xd2: {  	[hbm4b:s18+s3] =	stream.linear.scatter [tilespmem:s20], [sflag:$0x3], $0x3C00, $0x38;
	[tilespmem:$0x1E400] =	vst v63  }
0xd3: {  	_ =	swait.ge [sflag:s21], $0x3C00  }
0xd4: {  	[sflag:s21] =	ssyncset.done $0x0  }
0xd5: {  	[sflag:s21] =	ssyncadd.s32 $0xFFFFC400  }
0xd6: {  	_ =	sfence.sel $0x180000  }
0xd7: {  	[bflag:$0x0] =	sbarrier.arrive $0xFFFF  }
0xd8: {  	_ =	strace $0x90000047  }
0xd9: {  	s0 =	stileid.u32;
	[bflag:$0x2] =	sbarrier.arrive $0xFFFF  }
0xda: {  	p0 =	sne.s32 s0, $0x0;
	s0 =	rddreg [dreg:$0x3]  }
0xdb: {  	s0 =	sadd.s32 @!p0 $0x100000, s0  }
0xdc: {  	[sflag:s0] =	ssyncadd.tile.s32 @!p0 $0x1;
	_ =	shalt  }
.Lfunc_end2:
_tile_overlayer_lowered:
.L_overlay_start_2:
0xdd: {  	(tag) =	ssettag $0x2  }
0xde: {  	s0 =	rddreg [dreg:$0x0];
	s2 =	stileid.u32  }
0xdf: {  	s1 =	rddreg [dreg:$0x1];
	p0 =	sne.s32 s2, $0x0  }
0xe0: {  	s3 =	rddreg [dreg:$0x2];
	[bflag:$0x3] =	sbarrier.arrive $0xFFFF;
	s2 =	simm.s32 @!p0 $0x1C03  }
0xe1: {  	[timem:s3], [sflag:s2] =	dma.local @!p0 [hbm:s0], s1  }
0xe2: {  	s0 =	simm.s32 @!p0 $0x3  }
0xe3: {  	_ =	swait.ge @!p0 [sflag:s0], s1  }
0xe4: {  	s1 =	ssub.s32 @!p0 $0x0, s1;
	[sflag:s0] =	ssyncset.done @!p0 $0x0  }
0xe5: {  	[sflag:s0] =	ssyncadd.s32 @!p0 s1  }
0xe6: {  	[bflag:$0x3] =	sbarrier.arrive $0xFFFF  }
0xe7: {  	_ =	shalt  }

</sc_bundles>
